<compile_context>
chip_gen: v7x
topology: tpu7x:2x2x1
jax: 0.10.2.dev20260603
libtpu: 0.0.44.dev20260713+nightly
codegen_flags: <defaults>
</compile_context>

<pallas_src>
import jax
import jax.numpy as jnp
from jax import lax
from jax.experimental import pallas as pl
from jax.experimental.pallas import tpu as pltpu
from jax.experimental.pallas import tpu_sc as plsc

VOCAB = 100000
EMB = 32
NBLOCKS = 100
BATCH = 4096
L = 16


def _sc_body(hash_hbm, table_hbm, pos_hbm, out_hbm, tbl_v, pos_v, idx_v,
             obuf_v, isem0, isem1, osem0, osem1):
    info = plsc.get_sparse_core_info()
    nc = info.num_cores
    isems = (isem0, isem1)
    osems = (osem0, osem1)

    e = lax.axis_index("s") * nc + lax.axis_index("c")

    pltpu.sync_copy(table_hbm.at[e], tbl_v)
    pltpu.sync_copy(pos_hbm.at[e], pos_v)

    pltpu.async_copy(hash_hbm.at[0], idx_v.at[0], isems[0])
    pltpu.async_copy(hash_hbm.at[1], idx_v.at[1], isems[1])

    def compute(k, slot):
        posn = plsc.load_gather(pos_v, [jnp.full((L,), k, jnp.int32)])

        @plsc.parallel_loop(0, BATCH // L, unroll=16)
        def _g_loop(g):
            idxs = idx_v[slot, pl.ds(g * L, L)]
            vals = plsc.load_gather(tbl_v, [idxs])
            obuf_v[slot, pl.ds(g * L, L)] = vals + posn

        pltpu.async_copy(obuf_v.at[slot], out_hbm.at[k, e], osems[slot])

    def half(n, k, slot):
        pltpu.make_async_copy(hash_hbm.at[k], idx_v.at[slot], isems[slot]).wait()

        @pl.when(n > 0)
        def _():
            pltpu.make_async_copy(
                obuf_v.at[slot], out_hbm.at[k, e], osems[slot]).wait()

        compute(k, slot)

        @pl.when(k + 2 < NBLOCKS)
        def _():
            pltpu.async_copy(hash_hbm.at[k + 2], idx_v.at[slot], isems[slot])

    @pl.loop(0, NBLOCKS, step=2)
    def _n_loop(n):
        half(n, n, 0)
        half(n, n + 1, 1)

    for slot in (0, 1):
        pltpu.make_async_copy(
            obuf_v.at[slot], out_hbm.at[0, e], osems[slot]).wait()


def kernel(hash_ids, table, pos):
    hash_t = hash_ids.T
    table_t = table.T
    pos_t = jnp.transpose(pos, (0, 2, 1)).reshape(EMB, NBLOCKS)
    mesh = plsc.VectorSubcoreMesh(core_axis_name="c", subcore_axis_name="s")

    run = pl.kernel(
        _sc_body,
        out_type=jax.ShapeDtypeStruct((NBLOCKS, EMB, BATCH), jnp.float32),
        mesh=mesh,
        scratch_types=[
            pltpu.VMEM((VOCAB,), jnp.float32),
            pltpu.VMEM((NBLOCKS,), jnp.float32),
            pltpu.VMEM((2, BATCH), jnp.int32),
            pltpu.VMEM((2, BATCH), jnp.float32),
            pltpu.SemaphoreType.DMA,
            pltpu.SemaphoreType.DMA,
            pltpu.SemaphoreType.DMA,
            pltpu.SemaphoreType.DMA,
        ],
        compiler_params=pltpu.CompilerParams(needs_layout_passes=False),
    )
    out_t = run(hash_t, table_t, pos_t)
    return jnp.transpose(out_t, (2, 0, 1))

# --- scband reference (transcript-rebuilt; emitter-appended) ---
"""Pipeline reference for scband-shared-haploblock-embedding-30133490549576 (READ-ONLY COPY).

The authoritative reference and input builder live on the scoring server;
editing this copy changes nothing except your own understanding.
"""

import jax, jax.numpy as jnp
import numpy as np

VOCAB = 100000
EMB = 32
NBLOCKS = 100
BATCH = 4096

def setup_inputs(seed: int = 0) -> dict:
    key = jax.random.key(seed)
    k1, k2, k3 = jax.random.split(key, 3)
    hash_ids = jax.random.randint(k1, (BATCH, NBLOCKS), 0, VOCAB, dtype=jnp.int64 if jax.config.jax_enable_x64 else jnp.int32).astype(jnp.int32)
    table = jax.random.normal(k2, (VOCAB, EMB), dtype=jnp.float32) * 0.02
    table = table.at[0].set(0.0)  # padding_idx=0
    pos = jax.random.normal(k3, (1, NBLOCKS, EMB), dtype=jnp.float32) * 0.02
    return {"hash_ids": hash_ids, "table": table, "pos": pos}

def reference(hash_ids, table, pos):
    # padding_idx=0: row 0 is held at zero
    tbl = table.at[0].set(0.0)
    embedded = jnp.take(tbl, hash_ids, axis=0)  # (B, NBLOCKS, EMB)
    embedded = embedded + pos                   # broadcast positional encoding
    return embedded

if __name__ == "__main__":
    import jax
    _d = setup_inputs()
    print(jax.jit(kernel)(*tuple(_d.values())))

</pallas_src>

<mosaic_0001>
#map = affine_map<(d0, d1) -> (0, 0)>
#map1 = affine_map<(d0, d1) -> (0, 0, 0)>
module attributes {stable_mosaic.version = 14 : i64} {
  func.func @_sc_body(%arg0: i32, %arg1: i32, %arg2: memref<100x4096xi32, #tpu.memory_space<hbm>>, %arg3: memref<32x100000xf32, #tpu.memory_space<hbm>>, %arg4: memref<32x100xf32, #tpu.memory_space<hbm>>, %arg5: memref<100x32x4096xf32, #tpu.memory_space<hbm>>, %arg6: memref<100000xf32, #tpu.memory_space<vmem>>, %arg7: memref<100xf32, #tpu.memory_space<vmem>>, %arg8: memref<2x4096xi32, #tpu.memory_space<vmem>>, %arg9: memref<2x4096xf32, #tpu.memory_space<vmem>>, %arg10: memref<!tpu.dma_semaphore, #tpu.memory_space<semaphore_mem>>, %arg11: memref<!tpu.dma_semaphore, #tpu.memory_space<semaphore_mem>>, %arg12: memref<!tpu.dma_semaphore, #tpu.memory_space<semaphore_mem>>, %arg13: memref<!tpu.dma_semaphore, #tpu.memory_space<semaphore_mem>>) attributes {dimension_semantics = [#tpu.dimension_semantics<core_parallel>, #tpu.dimension_semantics<subcore_parallel>], iteration_bounds = array<i64: 2, 16>, scalar_prefetch = 0 : i64, scratch_operands = 8 : i64, tpu.core_type = #tpu.core_type<sc_vector_subcore>, window_params = [{transform_indices = #map}, {transform_indices = #map}, {transform_indices = #map}, {transform_indices = #map1}]} {
    %mul3A = arith.constant 2 : i32
    %mul3A_0 = arith.muli %arg1, %mul3A : i32
    %add3A = arith.addi %mul3A_0, %arg0 : i32
    "tpu.region"() ({
      %run_scoped3A = tpu.sem_alloc : memref<!tpu.dma_semaphore, #tpu.memory_space<semaphore_mem>>
      %dma_start3A_59 = arith.constant 0 : i32
      %dma_start3A_60 = tpu.memref_slice %arg3[%add3A, %dma_start3A_59] : memref<32x100000xf32, #tpu.memory_space<hbm>> -> memref<1x100000xf32, #tpu.memory_space<hbm>>
      %dma_start3A_61 = tpu.memref_squeeze %dma_start3A_60 : memref<1x100000xf32, #tpu.memory_space<hbm>> -> memref<100000xf32, #tpu.memory_space<hbm>>
      %dma_start3A_62 = arith.constant 0 : i32
      %dma_start3A_63 = tpu.memref_slice %arg3[%add3A, %dma_start3A_62] : memref<32x100000xf32, #tpu.memory_space<hbm>> -> memref<1x100000xf32, #tpu.memory_space<hbm>>
      %dma_start3A_64 = tpu.memref_squeeze %dma_start3A_63 : memref<1x100000xf32, #tpu.memory_space<hbm>> -> memref<100000xf32, #tpu.memory_space<hbm>>
      tpu.enqueue_dma source(%dma_start3A_64 : memref<100000xf32, #tpu.memory_space<hbm>>) target(%arg6 : memref<100000xf32, #tpu.memory_space<vmem>>) target_semaphore(%run_scoped3A : memref<!tpu.dma_semaphore, #tpu.memory_space<semaphore_mem>>)
      %dma_wait3A_65 = arith.constant 0 : i32
      %dma_wait3A_66 = tpu.memref_slice %arg3[%add3A, %dma_wait3A_65] : memref<32x100000xf32, #tpu.memory_space<hbm>> -> memref<1x100000xf32, #tpu.memory_space<hbm>>
      %dma_wait3A_67 = tpu.memref_squeeze %dma_wait3A_66 : memref<1x100000xf32, #tpu.memory_space<hbm>> -> memref<100000xf32, #tpu.memory_space<hbm>>
      %dma_wait3A_68 = arith.constant 0 : i32
      %dma_wait3A_69 = tpu.memref_slice %arg3[%add3A, %dma_wait3A_68] : memref<32x100000xf32, #tpu.memory_space<hbm>> -> memref<1x100000xf32, #tpu.memory_space<hbm>>
      %dma_wait3A_70 = tpu.memref_squeeze %dma_wait3A_69 : memref<1x100000xf32, #tpu.memory_space<hbm>> -> memref<100000xf32, #tpu.memory_space<hbm>>
      tpu.wait_dma2 semaphore(%run_scoped3A : memref<!tpu.dma_semaphore, #tpu.memory_space<semaphore_mem>>) src(%dma_wait3A_70 : memref<100000xf32, #tpu.memory_space<hbm>>) dst(%arg6 : memref<100000xf32, #tpu.memory_space<vmem>>)
      tpu.yield
    }) : () -> ()
    "tpu.region"() ({
      %run_scoped3A = tpu.sem_alloc : memref<!tpu.dma_semaphore, #tpu.memory_space<semaphore_mem>>
      %dma_start3A_59 = arith.constant 0 : i32
      %dma_start3A_60 = tpu.memref_slice %arg4[%add3A, %dma_start3A_59] : memref<32x100xf32, #tpu.memory_space<hbm>> -> memref<1x100xf32, #tpu.memory_space<hbm>>
      %dma_start3A_61 = tpu.memref_squeeze %dma_start3A_60 : memref<1x100xf32, #tpu.memory_space<hbm>> -> memref<100xf32, #tpu.memory_space<hbm>>
      %dma_start3A_62 = arith.constant 0 : i32
      %dma_start3A_63 = tpu.memref_slice %arg4[%add3A, %dma_start3A_62] : memref<32x100xf32, #tpu.memory_space<hbm>> -> memref<1x100xf32, #tpu.memory_space<hbm>>
      %dma_start3A_64 = tpu.memref_squeeze %dma_start3A_63 : memref<1x100xf32, #tpu.memory_space<hbm>> -> memref<100xf32, #tpu.memory_space<hbm>>
      tpu.enqueue_dma source(%dma_start3A_64 : memref<100xf32, #tpu.memory_space<hbm>>) target(%arg7 : memref<100xf32, #tpu.memory_space<vmem>>) target_semaphore(%run_scoped3A : memref<!tpu.dma_semaphore, #tpu.memory_space<semaphore_mem>>)
      %dma_wait3A_65 = arith.constant 0 : i32
      %dma_wait3A_66 = tpu.memref_slice %arg4[%add3A, %dma_wait3A_65] : memref<32x100xf32, #tpu.memory_space<hbm>> -> memref<1x100xf32, #tpu.memory_space<hbm>>
      %dma_wait3A_67 = tpu.memref_squeeze %dma_wait3A_66 : memref<1x100xf32, #tpu.memory_space<hbm>> -> memref<100xf32, #tpu.memory_space<hbm>>
      %dma_wait3A_68 = arith.constant 0 : i32
      %dma_wait3A_69 = tpu.memref_slice %arg4[%add3A, %dma_wait3A_68] : memref<32x100xf32, #tpu.memory_space<hbm>> -> memref<1x100xf32, #tpu.memory_space<hbm>>
      %dma_wait3A_70 = tpu.memref_squeeze %dma_wait3A_69 : memref<1x100xf32, #tpu.memory_space<hbm>> -> memref<100xf32, #tpu.memory_space<hbm>>
      tpu.wait_dma2 semaphore(%run_scoped3A : memref<!tpu.dma_semaphore, #tpu.memory_space<semaphore_mem>>) src(%dma_wait3A_70 : memref<100xf32, #tpu.memory_space<hbm>>) dst(%arg7 : memref<100xf32, #tpu.memory_space<vmem>>)
      tpu.yield
    }) : () -> ()
    %dma_start3A = arith.constant 0 : i32
    %dma_start3A_1 = arith.constant 0 : i32
    %dma_start3A_2 = arith.constant 0 : i32
    %dma_start3A_3 = tpu.memref_slice %arg8[%dma_start3A_1, %dma_start3A_2] : memref<2x4096xi32, #tpu.memory_space<vmem>> -> memref<1x4096xi32, #tpu.memory_space<vmem>>
    %dma_start3A_4 = tpu.memref_squeeze %dma_start3A_3 : memref<1x4096xi32, #tpu.memory_space<vmem>> -> memref<4096xi32, #tpu.memory_space<vmem>>
    %dma_start3A_5 = arith.constant 0 : i32
    %dma_start3A_6 = tpu.memref_slice %arg2[%dma_start3A, %dma_start3A_5] : memref<100x4096xi32, #tpu.memory_space<hbm>> -> memref<1x4096xi32, #tpu.memory_space<hbm>>
    %dma_start3A_7 = tpu.memref_squeeze %dma_start3A_6 : memref<1x4096xi32, #tpu.memory_space<hbm>> -> memref<4096xi32, #tpu.memory_space<hbm>>
    %dma_start3A_8 = arith.constant 0 : i32
    %dma_start3A_9 = tpu.memref_slice %arg8[%dma_start3A_1, %dma_start3A_8] : memref<2x4096xi32, #tpu.memory_space<vmem>> -> memref<1x4096xi32, #tpu.memory_space<vmem>>
    %dma_start3A_10 = tpu.memref_squeeze %dma_start3A_9 : memref<1x4096xi32, #tpu.memory_space<vmem>> -> memref<4096xi32, #tpu.memory_space<vmem>>
    %dma_start3A_11 = arith.constant 0 : i32
    %dma_start3A_12 = tpu.memref_slice %arg2[%dma_start3A, %dma_start3A_11] : memref<100x4096xi32, #tpu.memory_space<hbm>> -> memref<1x4096xi32, #tpu.memory_space<hbm>>
    %dma_start3A_13 = tpu.memref_squeeze %dma_start3A_12 : memref<1x4096xi32, #tpu.memory_space<hbm>> -> memref<4096xi32, #tpu.memory_space<hbm>>
    tpu.enqueue_dma source(%dma_start3A_13 : memref<4096xi32, #tpu.memory_space<hbm>>) target(%dma_start3A_10 : memref<4096xi32, #tpu.memory_space<vmem>>) target_semaphore(%arg10 : memref<!tpu.dma_semaphore, #tpu.memory_space<semaphore_mem>>)
    %dma_start3A_14 = arith.constant 1 : i32
    %dma_start3A_15 = arith.constant 1 : i32
    %dma_start3A_16 = arith.constant 0 : i32
    %dma_start3A_17 = tpu.memref_slice %arg8[%dma_start3A_15, %dma_start3A_16] : memref<2x4096xi32, #tpu.memory_space<vmem>> -> memref<1x4096xi32, #tpu.memory_space<vmem>>
    %dma_start3A_18 = tpu.memref_squeeze %dma_start3A_17 : memref<1x4096xi32, #tpu.memory_space<vmem>> -> memref<4096xi32, #tpu.memory_space<vmem>>
    %dma_start3A_19 = arith.constant 0 : i32
    %dma_start3A_20 = tpu.memref_slice %arg2[%dma_start3A_14, %dma_start3A_19] : memref<100x4096xi32, #tpu.memory_space<hbm>> -> memref<1x4096xi32, #tpu.memory_space<hbm>>
    %dma_start3A_21 = tpu.memref_squeeze %dma_start3A_20 : memref<1x4096xi32, #tpu.memory_space<hbm>> -> memref<4096xi32, #tpu.memory_space<hbm>>
    %dma_start3A_22 = arith.constant 0 : i32
    %dma_start3A_23 = tpu.memref_slice %arg8[%dma_start3A_15, %dma_start3A_22] : memref<2x4096xi32, #tpu.memory_space<vmem>> -> memref<1x4096xi32, #tpu.memory_space<vmem>>
    %dma_start3A_24 = tpu.memref_squeeze %dma_start3A_23 : memref<1x4096xi32, #tpu.memory_space<vmem>> -> memref<4096xi32, #tpu.memory_space<vmem>>
    %dma_start3A_25 = arith.constant 0 : i32
    %dma_start3A_26 = tpu.memref_slice %arg2[%dma_start3A_14, %dma_start3A_25] : memref<100x4096xi32, #tpu.memory_space<hbm>> -> memref<1x4096xi32, #tpu.memory_space<hbm>>
    %dma_start3A_27 = tpu.memref_squeeze %dma_start3A_26 : memref<1x4096xi32, #tpu.memory_space<hbm>> -> memref<4096xi32, #tpu.memory_space<hbm>>
    tpu.enqueue_dma source(%dma_start3A_27 : memref<4096xi32, #tpu.memory_space<hbm>>) target(%dma_start3A_24 : memref<4096xi32, #tpu.memory_space<vmem>>) target_semaphore(%arg11 : memref<!tpu.dma_semaphore, #tpu.memory_space<semaphore_mem>>)
    %scan3A = arith.constant 0 : i32
    %scan3A_28 = arith.constant 50 : i32
    %scan3A_29 = arith.addi %scan3A, %scan3A_28 : i32
    %scan3A_30 = arith.constant 1 : i32
    scf.for %scan3A_59 = %scan3A to %scan3A_29 step %scan3A_30  : i32 {
      %mul3A_60 = arith.constant 2 : i32
      %mul3A_61 = arith.muli %scan3A_59, %mul3A_60 : i32
      %add3A_62 = arith.constant 0 : i32
      %add3A_63 = arith.addi %add3A_62, %mul3A_61 : i32
      %dma_wait3A_64 = arith.constant 0 : i32
      %dma_wait3A_65 = arith.constant 0 : i32
      %dma_wait3A_66 = tpu.memref_slice %arg8[%dma_wait3A_64, %dma_wait3A_65] : memref<2x4096xi32, #tpu.memory_space<vmem>> -> memref<1x4096xi32, #tpu.memory_space<vmem>>
      %dma_wait3A_67 = tpu.memref_squeeze %dma_wait3A_66 : memref<1x4096xi32, #tpu.memory_space<vmem>> -> memref<4096xi32, #tpu.memory_space<vmem>>
      %dma_wait3A_68 = arith.constant 0 : i32
      %dma_wait3A_69 = tpu.memref_slice %arg2[%add3A_63, %dma_wait3A_68] : memref<100x4096xi32, #tpu.memory_space<hbm>> -> memref<1x4096xi32, #tpu.memory_space<hbm>>
      %dma_wait3A_70 = tpu.memref_squeeze %dma_wait3A_69 : memref<1x4096xi32, #tpu.memory_space<hbm>> -> memref<4096xi32, #tpu.memory_space<hbm>>
      %dma_wait3A_71 = arith.constant 0 : i32
      %dma_wait3A_72 = tpu.memref_slice %arg8[%dma_wait3A_64, %dma_wait3A_71] : memref<2x4096xi32, #tpu.memory_space<vmem>> -> memref<1x4096xi32, #tpu.memory_space<vmem>>
      %dma_wait3A_73 = tpu.memref_squeeze %dma_wait3A_72 : memref<1x4096xi32, #tpu.memory_space<vmem>> -> memref<4096xi32, #tpu.memory_space<vmem>>
      %dma_wait3A_74 = arith.constant 0 : i32
      %dma_wait3A_75 = tpu.memref_slice %arg2[%add3A_63, %dma_wait3A_74] : memref<100x4096xi32, #tpu.memory_space<hbm>> -> memref<1x4096xi32, #tpu.memory_space<hbm>>
      %dma_wait3A_76 = tpu.memref_squeeze %dma_wait3A_75 : memref<1x4096xi32, #tpu.memory_space<hbm>> -> memref<4096xi32, #tpu.memory_space<hbm>>
      tpu.wait_dma2 semaphore(%arg10 : memref<!tpu.dma_semaphore, #tpu.memory_space<semaphore_mem>>) src(%dma_wait3A_76 : memref<4096xi32, #tpu.memory_space<hbm>>) dst(%dma_wait3A_73 : memref<4096xi32, #tpu.memory_space<vmem>>)
      %gt3A = arith.constant 0 : i32
      %gt3A_77 = arith.cmpi sgt, %add3A_63, %gt3A : i32
      %convert_element_type3A = arith.extui %gt3A_77 : i1 to i32
      %cond3A = arith.constant 0 : i32
      %cond3A_78 = arith.cmpi ne, %convert_element_type3A, %cond3A : i32
      scf.if %cond3A_78 {
        %dma_wait3A_145 = arith.constant 0 : i32
        %dma_wait3A_146 = arith.constant 0 : i32
        %dma_wait3A_147 = tpu.memref_slice %arg9[%dma_wait3A_145, %dma_wait3A_146] : memref<2x4096xf32, #tpu.memory_space<vmem>> -> memref<1x4096xf32, #tpu.memory_space<vmem>>
        %dma_wait3A_148 = tpu.memref_squeeze %dma_wait3A_147 : memref<1x4096xf32, #tpu.memory_space<vmem>> -> memref<4096xf32, #tpu.memory_space<vmem>>
        %dma_wait3A_149 = arith.constant 0 : i32
        %dma_wait3A_150 = tpu.memref_slice %arg5[%add3A_63, %add3A, %dma_wait3A_149] : memref<100x32x4096xf32, #tpu.memory_space<hbm>> -> memref<1x1x4096xf32, #tpu.memory_space<hbm>>
        %dma_wait3A_151 = tpu.memref_squeeze %dma_wait3A_150 : memref<1x1x4096xf32, #tpu.memory_space<hbm>> -> memref<4096xf32, #tpu.memory_space<hbm>>
        %dma_wait3A_152 = arith.constant 0 : i32
        %dma_wait3A_153 = tpu.memref_slice %arg5[%add3A_63, %add3A, %dma_wait3A_152] : memref<100x32x4096xf32, #tpu.memory_space<hbm>> -> memref<1x1x4096xf32, #tpu.memory_space<hbm>>
        %dma_wait3A_154 = tpu.memref_squeeze %dma_wait3A_153 : memref<1x1x4096xf32, #tpu.memory_space<hbm>> -> memref<4096xf32, #tpu.memory_space<hbm>>
        %dma_wait3A_155 = arith.constant 0 : i32
        %dma_wait3A_156 = tpu.memref_slice %arg9[%dma_wait3A_145, %dma_wait3A_155] : memref<2x4096xf32, #tpu.memory_space<vmem>> -> memref<1x4096xf32, #tpu.memory_space<vmem>>
        %dma_wait3A_157 = tpu.memref_squeeze %dma_wait3A_156 : memref<1x4096xf32, #tpu.memory_space<vmem>> -> memref<4096xf32, #tpu.memory_space<vmem>>
        tpu.wait_dma2 semaphore(%arg12 : memref<!tpu.dma_semaphore, #tpu.memory_space<semaphore_mem>>) src(%dma_wait3A_157 : memref<4096xf32, #tpu.memory_space<vmem>>) dst(%dma_wait3A_154 : memref<4096xf32, #tpu.memory_space<hbm>>)
      } else {
      }
      %broadcast_in_dim3A = vector.broadcast %add3A_63 : i32 to vector<16xi32>
      %gather3A = tpu.vector_load_idx %arg7[%broadcast_in_dim3A] : memref<100xf32, #tpu.memory_space<vmem>>[vector<16xi32>], vector<16xf32>,
      %parallel_loop3A = arith.constant 0 : i32
      %parallel_loop3A_79 = arith.constant 256 : i32
      %parallel_loop3A_80 = arith.constant 1 : i32
      scf.for %parallel_loop3A_145 = %parallel_loop3A to %parallel_loop3A_79 step %parallel_loop3A_80  : i32 {
        %parallel_loop3A_146 = arith.constant 16 : i32
        %parallel_loop3A_147 = arith.muli %parallel_loop3A_145, %parallel_loop3A_146 : i32
        %parallel_loop3A_148 = arith.constant 0 : i32
        %parallel_loop3A_149 = arith.index_cast %parallel_loop3A_148 : i32 to index
        %parallel_loop3A_150 = arith.index_cast %parallel_loop3A_147 : i32 to index
        %parallel_loop3A_151 = tpu.vector_load %arg8[%parallel_loop3A_149, %parallel_loop3A_150] {strides = array<i32>} : memref<2x4096xi32, #tpu.memory_space<vmem>>, vector<16xi32>,
        %parallel_loop3A_152 = tpu.vector_load_idx %arg6[%parallel_loop3A_151] : memref<100000xf32, #tpu.memory_space<vmem>>[vector<16xi32>], vector<16xf32>,
        %parallel_loop3A_153 = arith.addf %parallel_loop3A_152, %gather3A : vector<16xf32>
        %parallel_loop3A_154 = arith.constant 16 : i32
        %parallel_loop3A_155 = arith.muli %parallel_loop3A_145, %parallel_loop3A_154 : i32
        %parallel_loop3A_156 = arith.constant 0 : i32
        %parallel_loop3A_157 = arith.index_cast %parallel_loop3A_156 : i32 to index
        %parallel_loop3A_158 = arith.index_cast %parallel_loop3A_155 : i32 to index
        %parallel_loop3A_159 = tpu.vector_load %arg9[%parallel_loop3A_157, %parallel_loop3A_158] {strides = array<i32>} : memref<2x4096xf32, #tpu.memory_space<vmem>>, vector<16xf32>,
        tpu.vector_store %arg9[%parallel_loop3A_157, %parallel_loop3A_158], %parallel_loop3A_153 {strides = array<i32>} : memref<2x4096xf32, #tpu.memory_space<vmem>>, vector<16xf32>,
      } {sc.loop_unroll_factor = 16 : i64, sc.parallel_access}
      %dma_start3A_81 = arith.constant 0 : i32
      %dma_start3A_82 = arith.constant 0 : i32
      %dma_start3A_83 = tpu.memref_slice %arg9[%dma_start3A_81, %dma_start3A_82] : memref<2x4096xf32, #tpu.memory_space<vmem>> -> memref<1x4096xf32, #tpu.memory_space<vmem>>
      %dma_start3A_84 = tpu.memref_squeeze %dma_start3A_83 : memref<1x4096xf32, #tpu.memory_space<vmem>> -> memref<4096xf32, #tpu.memory_space<vmem>>
      %dma_start3A_85 = arith.constant 0 : i32
      %dma_start3A_86 = tpu.memref_slice %arg5[%add3A_63, %add3A, %dma_start3A_85] : memref<100x32x4096xf32, #tpu.memory_space<hbm>> -> memref<1x1x4096xf32, #tpu.memory_space<hbm>>
      %dma_start3A_87 = tpu.memref_squeeze %dma_start3A_86 : memref<1x1x4096xf32, #tpu.memory_space<hbm>> -> memref<4096xf32, #tpu.memory_space<hbm>>
      %dma_start3A_88 = arith.constant 0 : i32
      %dma_start3A_89 = tpu.memref_slice %arg5[%add3A_63, %add3A, %dma_start3A_88] : memref<100x32x4096xf32, #tpu.memory_space<hbm>> -> memref<1x1x4096xf32, #tpu.memory_space<hbm>>
      %dma_start3A_90 = tpu.memref_squeeze %dma_start3A_89 : memref<1x1x4096xf32, #tpu.memory_space<hbm>> -> memref<4096xf32, #tpu.memory_space<hbm>>
      %dma_start3A_91 = arith.constant 0 : i32
      %dma_start3A_92 = tpu.memref_slice %arg9[%dma_start3A_81, %dma_start3A_91] : memref<2x4096xf32, #tpu.memory_space<vmem>> -> memref<1x4096xf32, #tpu.memory_space<vmem>>
      %dma_start3A_93 = tpu.memref_squeeze %dma_start3A_92 : memref<1x4096xf32, #tpu.memory_space<vmem>> -> memref<4096xf32, #tpu.memory_space<vmem>>
      tpu.enqueue_dma source(%dma_start3A_93 : memref<4096xf32, #tpu.memory_space<vmem>>) target(%dma_start3A_90 : memref<4096xf32, #tpu.memory_space<hbm>>) target_semaphore(%arg12 : memref<!tpu.dma_semaphore, #tpu.memory_space<semaphore_mem>>)
      %add3A_94 = arith.constant 2 : i32
      %add3A_95 = arith.addi %add3A_63, %add3A_94 : i32
      %lt3A = arith.constant 100 : i32
      %lt3A_96 = arith.cmpi slt, %add3A_95, %lt3A : i32
      %convert_element_type3A_97 = arith.extui %lt3A_96 : i1 to i32
      %cond3A_98 = arith.constant 0 : i32
      %cond3A_99 = arith.cmpi ne, %convert_element_type3A_97, %cond3A_98 : i32
      scf.if %cond3A_99 {
        %add3A_145 = arith.constant 2 : i32
        %add3A_146 = arith.addi %add3A_63, %add3A_145 : i32
        %dma_start3A_147 = arith.constant 0 : i32
        %dma_start3A_148 = arith.constant 0 : i32
        %dma_start3A_149 = tpu.memref_slice %arg8[%dma_start3A_147, %dma_start3A_148] : memref<2x4096xi32, #tpu.memory_space<vmem>> -> memref<1x4096xi32, #tpu.memory_space<vmem>>
        %dma_start3A_150 = tpu.memref_squeeze %dma_start3A_149 : memref<1x4096xi32, #tpu.memory_space<vmem>> -> memref<4096xi32, #tpu.memory_space<vmem>>
        %dma_start3A_151 = arith.constant 0 : i32
        %dma_start3A_152 = tpu.memref_slice %arg2[%add3A_146, %dma_start3A_151] : memref<100x4096xi32, #tpu.memory_space<hbm>> -> memref<1x4096xi32, #tpu.memory_space<hbm>>
        %dma_start3A_153 = tpu.memref_squeeze %dma_start3A_152 : memref<1x4096xi32, #tpu.memory_space<hbm>> -> memref<4096xi32, #tpu.memory_space<hbm>>
        %dma_start3A_154 = arith.constant 0 : i32
        %dma_start3A_155 = tpu.memref_slice %arg8[%dma_start3A_147, %dma_start3A_154] : memref<2x4096xi32, #tpu.memory_space<vmem>> -> memref<1x4096xi32, #tpu.memory_space<vmem>>
        %dma_start3A_156 = tpu.memref_squeeze %dma_start3A_155 : memref<1x4096xi32, #tpu.memory_space<vmem>> -> memref<4096xi32, #tpu.memory_space<vmem>>
        %dma_start3A_157 = arith.constant 0 : i32
        %dma_start3A_158 = tpu.memref_slice %arg2[%add3A_146, %dma_start3A_157] : memref<100x4096xi32, #tpu.memory_space<hbm>> -> memref<1x4096xi32, #tpu.memory_space<hbm>>
        %dma_start3A_159 = tpu.memref_squeeze %dma_start3A_158 : memref<1x4096xi32, #tpu.memory_space<hbm>> -> memref<4096xi32, #tpu.memory_space<hbm>>
        tpu.enqueue_dma source(%dma_start3A_159 : memref<4096xi32, #tpu.memory_space<hbm>>) target(%dma_start3A_156 : memref<4096xi32, #tpu.memory_space<vmem>>) target_semaphore(%arg10 : memref<!tpu.dma_semaphore, #tpu.memory_space<semaphore_mem>>)
      } else {
      }
      %add3A_100 = arith.constant 1 : i32
      %add3A_101 = arith.addi %add3A_63, %add3A_100 : i32
      %dma_wait3A_102 = arith.constant 1 : i32
      %dma_wait3A_103 = arith.constant 0 : i32
      %dma_wait3A_104 = tpu.memref_slice %arg8[%dma_wait3A_102, %dma_wait3A_103] : memref<2x4096xi32, #tpu.memory_space<vmem>> -> memref<1x4096xi32, #tpu.memory_space<vmem>>
      %dma_wait3A_105 = tpu.memref_squeeze %dma_wait3A_104 : memref<1x4096xi32, #tpu.memory_space<vmem>> -> memref<4096xi32, #tpu.memory_space<vmem>>
      %dma_wait3A_106 = arith.constant 0 : i32
      %dma_wait3A_107 = tpu.memref_slice %arg2[%add3A_101, %dma_wait3A_106] : memref<100x4096xi32, #tpu.memory_space<hbm>> -> memref<1x4096xi32, #tpu.memory_space<hbm>>
      %dma_wait3A_108 = tpu.memref_squeeze %dma_wait3A_107 : memref<1x4096xi32, #tpu.memory_space<hbm>> -> memref<4096xi32, #tpu.memory_space<hbm>>
      %dma_wait3A_109 = arith.constant 0 : i32
      %dma_wait3A_110 = tpu.memref_slice %arg8[%dma_wait3A_102, %dma_wait3A_109] : memref<2x4096xi32, #tpu.memory_space<vmem>> -> memref<1x4096xi32, #tpu.memory_space<vmem>>
      %dma_wait3A_111 = tpu.memref_squeeze %dma_wait3A_110 : memref<1x4096xi32, #tpu.memory_space<vmem>> -> memref<4096xi32, #tpu.memory_space<vmem>>
      %dma_wait3A_112 = arith.constant 0 : i32
      %dma_wait3A_113 = tpu.memref_slice %arg2[%add3A_101, %dma_wait3A_112] : memref<100x4096xi32, #tpu.memory_space<hbm>> -> memref<1x4096xi32, #tpu.memory_space<hbm>>
      %dma_wait3A_114 = tpu.memref_squeeze %dma_wait3A_113 : memref<1x4096xi32, #tpu.memory_space<hbm>> -> memref<4096xi32, #tpu.memory_space<hbm>>
      tpu.wait_dma2 semaphore(%arg11 : memref<!tpu.dma_semaphore, #tpu.memory_space<semaphore_mem>>) src(%dma_wait3A_114 : memref<4096xi32, #tpu.memory_space<hbm>>) dst(%dma_wait3A_111 : memref<4096xi32, #tpu.memory_space<vmem>>)
      %gt3A_115 = arith.constant 0 : i32
      %gt3A_116 = arith.cmpi sgt, %add3A_63, %gt3A_115 : i32
      %convert_element_type3A_117 = arith.extui %gt3A_116 : i1 to i32
      %cond3A_118 = arith.constant 0 : i32
      %cond3A_119 = arith.cmpi ne, %convert_element_type3A_117, %cond3A_118 : i32
      scf.if %cond3A_119 {
        %dma_wait3A_145 = arith.constant 1 : i32
        %dma_wait3A_146 = arith.constant 0 : i32
        %dma_wait3A_147 = tpu.memref_slice %arg9[%dma_wait3A_145, %dma_wait3A_146] : memref<2x4096xf32, #tpu.memory_space<vmem>> -> memref<1x4096xf32, #tpu.memory_space<vmem>>
        %dma_wait3A_148 = tpu.memref_squeeze %dma_wait3A_147 : memref<1x4096xf32, #tpu.memory_space<vmem>> -> memref<4096xf32, #tpu.memory_space<vmem>>
        %dma_wait3A_149 = arith.constant 0 : i32
        %dma_wait3A_150 = tpu.memref_slice %arg5[%add3A_101, %add3A, %dma_wait3A_149] : memref<100x32x4096xf32, #tpu.memory_space<hbm>> -> memref<1x1x4096xf32, #tpu.memory_space<hbm>>
        %dma_wait3A_151 = tpu.memref_squeeze %dma_wait3A_150 : memref<1x1x4096xf32, #tpu.memory_space<hbm>> -> memref<4096xf32, #tpu.memory_space<hbm>>
        %dma_wait3A_152 = arith.constant 0 : i32
        %dma_wait3A_153 = tpu.memref_slice %arg5[%add3A_101, %add3A, %dma_wait3A_152] : memref<100x32x4096xf32, #tpu.memory_space<hbm>> -> memref<1x1x4096xf32, #tpu.memory_space<hbm>>
        %dma_wait3A_154 = tpu.memref_squeeze %dma_wait3A_153 : memref<1x1x4096xf32, #tpu.memory_space<hbm>> -> memref<4096xf32, #tpu.memory_space<hbm>>
        %dma_wait3A_155 = arith.constant 0 : i32
        %dma_wait3A_156 = tpu.memref_slice %arg9[%dma_wait3A_145, %dma_wait3A_155] : memref<2x4096xf32, #tpu.memory_space<vmem>> -> memref<1x4096xf32, #tpu.memory_space<vmem>>
        %dma_wait3A_157 = tpu.memref_squeeze %dma_wait3A_156 : memref<1x4096xf32, #tpu.memory_space<vmem>> -> memref<4096xf32, #tpu.memory_space<vmem>>
        tpu.wait_dma2 semaphore(%arg13 : memref<!tpu.dma_semaphore, #tpu.memory_space<semaphore_mem>>) src(%dma_wait3A_157 : memref<4096xf32, #tpu.memory_space<vmem>>) dst(%dma_wait3A_154 : memref<4096xf32, #tpu.memory_space<hbm>>)
      } else {
      }
      %broadcast_in_dim3A_120 = vector.broadcast %add3A_101 : i32 to vector<16xi32>
      %gather3A_121 = tpu.vector_load_idx %arg7[%broadcast_in_dim3A_120] : memref<100xf32, #tpu.memory_space<vmem>>[vector<16xi32>], vector<16xf32>,
      %parallel_loop3A_122 = arith.constant 0 : i32
      %parallel_loop3A_123 = arith.constant 256 : i32
      %parallel_loop3A_124 = arith.constant 1 : i32
      scf.for %parallel_loop3A_145 = %parallel_loop3A_122 to %parallel_loop3A_123 step %parallel_loop3A_124  : i32 {
        %parallel_loop3A_146 = arith.constant 16 : i32
        %parallel_loop3A_147 = arith.muli %parallel_loop3A_145, %parallel_loop3A_146 : i32
        %parallel_loop3A_148 = arith.constant 1 : i32
        %parallel_loop3A_149 = arith.index_cast %parallel_loop3A_148 : i32 to index
        %parallel_loop3A_150 = arith.index_cast %parallel_loop3A_147 : i32 to index
        %parallel_loop3A_151 = tpu.vector_load %arg8[%parallel_loop3A_149, %parallel_loop3A_150] {strides = array<i32>} : memref<2x4096xi32, #tpu.memory_space<vmem>>, vector<16xi32>,
        %parallel_loop3A_152 = tpu.vector_load_idx %arg6[%parallel_loop3A_151] : memref<100000xf32, #tpu.memory_space<vmem>>[vector<16xi32>], vector<16xf32>,
        %parallel_loop3A_153 = arith.addf %parallel_loop3A_152, %gather3A_121 : vector<16xf32>
        %parallel_loop3A_154 = arith.constant 16 : i32
        %parallel_loop3A_155 = arith.muli %parallel_loop3A_145, %parallel_loop3A_154 : i32
        %parallel_loop3A_156 = arith.constant 1 : i32
        %parallel_loop3A_157 = arith.index_cast %parallel_loop3A_156 : i32 to index
        %parallel_loop3A_158 = arith.index_cast %parallel_loop3A_155 : i32 to index
        %parallel_loop3A_159 = tpu.vector_load %arg9[%parallel_loop3A_157, %parallel_loop3A_158] {strides = array<i32>} : memref<2x4096xf32, #tpu.memory_space<vmem>>, vector<16xf32>,
        tpu.vector_store %arg9[%parallel_loop3A_157, %parallel_loop3A_158], %parallel_loop3A_153 {strides = array<i32>} : memref<2x4096xf32, #tpu.memory_space<vmem>>, vector<16xf32>,
      } {sc.loop_unroll_factor = 16 : i64, sc.parallel_access}
      %dma_start3A_125 = arith.constant 1 : i32
      %dma_start3A_126 = arith.constant 0 : i32
      %dma_start3A_127 = tpu.memref_slice %arg9[%dma_start3A_125, %dma_start3A_126] : memref<2x4096xf32, #tpu.memory_space<vmem>> -> memref<1x4096xf32, #tpu.memory_space<vmem>>
      %dma_start3A_128 = tpu.memref_squeeze %dma_start3A_127 : memref<1x4096xf32, #tpu.memory_space<vmem>> -> memref<4096xf32, #tpu.memory_space<vmem>>
      %dma_start3A_129 = arith.constant 0 : i32
      %dma_start3A_130 = tpu.memref_slice %arg5[%add3A_101, %add3A, %dma_start3A_129] : memref<100x32x4096xf32, #tpu.memory_space<hbm>> -> memref<1x1x4096xf32, #tpu.memory_space<hbm>>
      %dma_start3A_131 = tpu.memref_squeeze %dma_start3A_130 : memref<1x1x4096xf32, #tpu.memory_space<hbm>> -> memref<4096xf32, #tpu.memory_space<hbm>>
      %dma_start3A_132 = arith.constant 0 : i32
      %dma_start3A_133 = tpu.memref_slice %arg5[%add3A_101, %add3A, %dma_start3A_132] : memref<100x32x4096xf32, #tpu.memory_space<hbm>> -> memref<1x1x4096xf32, #tpu.memory_space<hbm>>
      %dma_start3A_134 = tpu.memref_squeeze %dma_start3A_133 : memref<1x1x4096xf32, #tpu.memory_space<hbm>> -> memref<4096xf32, #tpu.memory_space<hbm>>
      %dma_start3A_135 = arith.constant 0 : i32
      %dma_start3A_136 = tpu.memref_slice %arg9[%dma_start3A_125, %dma_start3A_135] : memref<2x4096xf32, #tpu.memory_space<vmem>> -> memref<1x4096xf32, #tpu.memory_space<vmem>>
      %dma_start3A_137 = tpu.memref_squeeze %dma_start3A_136 : memref<1x4096xf32, #tpu.memory_space<vmem>> -> memref<4096xf32, #tpu.memory_space<vmem>>
      tpu.enqueue_dma source(%dma_start3A_137 : memref<4096xf32, #tpu.memory_space<vmem>>) target(%dma_start3A_134 : memref<4096xf32, #tpu.memory_space<hbm>>) target_semaphore(%arg13 : memref<!tpu.dma_semaphore, #tpu.memory_space<semaphore_mem>>)
      %add3A_138 = arith.constant 2 : i32
      %add3A_139 = arith.addi %add3A_101, %add3A_138 : i32
      %lt3A_140 = arith.constant 100 : i32
      %lt3A_141 = arith.cmpi slt, %add3A_139, %lt3A_140 : i32
      %convert_element_type3A_142 = arith.extui %lt3A_141 : i1 to i32
      %cond3A_143 = arith.constant 0 : i32
      %cond3A_144 = arith.cmpi ne, %convert_element_type3A_142, %cond3A_143 : i32
      scf.if %cond3A_144 {
        %add3A_145 = arith.constant 2 : i32
        %add3A_146 = arith.addi %add3A_101, %add3A_145 : i32
        %dma_start3A_147 = arith.constant 1 : i32
        %dma_start3A_148 = arith.constant 0 : i32
        %dma_start3A_149 = tpu.memref_slice %arg8[%dma_start3A_147, %dma_start3A_148] : memref<2x4096xi32, #tpu.memory_space<vmem>> -> memref<1x4096xi32, #tpu.memory_space<vmem>>
        %dma_start3A_150 = tpu.memref_squeeze %dma_start3A_149 : memref<1x4096xi32, #tpu.memory_space<vmem>> -> memref<4096xi32, #tpu.memory_space<vmem>>
        %dma_start3A_151 = arith.constant 0 : i32
        %dma_start3A_152 = tpu.memref_slice %arg2[%add3A_146, %dma_start3A_151] : memref<100x4096xi32, #tpu.memory_space<hbm>> -> memref<1x4096xi32, #tpu.memory_space<hbm>>
        %dma_start3A_153 = tpu.memref_squeeze %dma_start3A_152 : memref<1x4096xi32, #tpu.memory_space<hbm>> -> memref<4096xi32, #tpu.memory_space<hbm>>
        %dma_start3A_154 = arith.constant 0 : i32
        %dma_start3A_155 = tpu.memref_slice %arg8[%dma_start3A_147, %dma_start3A_154] : memref<2x4096xi32, #tpu.memory_space<vmem>> -> memref<1x4096xi32, #tpu.memory_space<vmem>>
        %dma_start3A_156 = tpu.memref_squeeze %dma_start3A_155 : memref<1x4096xi32, #tpu.memory_space<vmem>> -> memref<4096xi32, #tpu.memory_space<vmem>>
        %dma_start3A_157 = arith.constant 0 : i32
        %dma_start3A_158 = tpu.memref_slice %arg2[%add3A_146, %dma_start3A_157] : memref<100x4096xi32, #tpu.memory_space<hbm>> -> memref<1x4096xi32, #tpu.memory_space<hbm>>
        %dma_start3A_159 = tpu.memref_squeeze %dma_start3A_158 : memref<1x4096xi32, #tpu.memory_space<hbm>> -> memref<4096xi32, #tpu.memory_space<hbm>>
        tpu.enqueue_dma source(%dma_start3A_159 : memref<4096xi32, #tpu.memory_space<hbm>>) target(%dma_start3A_156 : memref<4096xi32, #tpu.memory_space<vmem>>) target_semaphore(%arg11 : memref<!tpu.dma_semaphore, #tpu.memory_space<semaphore_mem>>)
      } else {
      }
    }
    %scan3A_31 = arith.constant 50 : i32
    %dma_wait3A = arith.constant 0 : i32
    %dma_wait3A_32 = arith.constant 0 : i32
    %dma_wait3A_33 = arith.constant 0 : i32
    %dma_wait3A_34 = tpu.memref_slice %arg9[%dma_wait3A, %dma_wait3A_33] : memref<2x4096xf32, #tpu.memory_space<vmem>> -> memref<1x4096xf32, #tpu.memory_space<vmem>>
    %dma_wait3A_35 = tpu.memref_squeeze %dma_wait3A_34 : memref<1x4096xf32, #tpu.memory_space<vmem>> -> memref<4096xf32, #tpu.memory_space<vmem>>
    %dma_wait3A_36 = arith.constant 0 : i32
    %dma_wait3A_37 = tpu.memref_slice %arg5[%dma_wait3A_32, %add3A, %dma_wait3A_36] : memref<100x32x4096xf32, #tpu.memory_space<hbm>> -> memref<1x1x4096xf32, #tpu.memory_space<hbm>>
    %dma_wait3A_38 = tpu.memref_squeeze %dma_wait3A_37 : memref<1x1x4096xf32, #tpu.memory_space<hbm>> -> memref<4096xf32, #tpu.memory_space<hbm>>
    %dma_wait3A_39 = arith.constant 0 : i32
    %dma_wait3A_40 = tpu.memref_slice %arg5[%dma_wait3A_32, %add3A, %dma_wait3A_39] : memref<100x32x4096xf32, #tpu.memory_space<hbm>> -> memref<1x1x4096xf32, #tpu.memory_space<hbm>>
    %dma_wait3A_41 = tpu.memref_squeeze %dma_wait3A_40 : memref<1x1x4096xf32, #tpu.memory_space<hbm>> -> memref<4096xf32, #tpu.memory_space<hbm>>
    %dma_wait3A_42 = arith.constant 0 : i32
    %dma_wait3A_43 = tpu.memref_slice %arg9[%dma_wait3A, %dma_wait3A_42] : memref<2x4096xf32, #tpu.memory_space<vmem>> -> memref<1x4096xf32, #tpu.memory_space<vmem>>
    %dma_wait3A_44 = tpu.memref_squeeze %dma_wait3A_43 : memref<1x4096xf32, #tpu.memory_space<vmem>> -> memref<4096xf32, #tpu.memory_space<vmem>>
    tpu.wait_dma2 semaphore(%arg12 : memref<!tpu.dma_semaphore, #tpu.memory_space<semaphore_mem>>) src(%dma_wait3A_44 : memref<4096xf32, #tpu.memory_space<vmem>>) dst(%dma_wait3A_41 : memref<4096xf32, #tpu.memory_space<hbm>>)
    %dma_wait3A_45 = arith.constant 1 : i32
    %dma_wait3A_46 = arith.constant 0 : i32
    %dma_wait3A_47 = arith.constant 0 : i32
    %dma_wait3A_48 = tpu.memref_slice %arg9[%dma_wait3A_45, %dma_wait3A_47] : memref<2x4096xf32, #tpu.memory_space<vmem>> -> memref<1x4096xf32, #tpu.memory_space<vmem>>
    %dma_wait3A_49 = tpu.memref_squeeze %dma_wait3A_48 : memref<1x4096xf32, #tpu.memory_space<vmem>> -> memref<4096xf32, #tpu.memory_space<vmem>>
    %dma_wait3A_50 = arith.constant 0 : i32
    %dma_wait3A_51 = tpu.memref_slice %arg5[%dma_wait3A_46, %add3A, %dma_wait3A_50] : memref<100x32x4096xf32, #tpu.memory_space<hbm>> -> memref<1x1x4096xf32, #tpu.memory_space<hbm>>
    %dma_wait3A_52 = tpu.memref_squeeze %dma_wait3A_51 : memref<1x1x4096xf32, #tpu.memory_space<hbm>> -> memref<4096xf32, #tpu.memory_space<hbm>>
    %dma_wait3A_53 = arith.constant 0 : i32
    %dma_wait3A_54 = tpu.memref_slice %arg5[%dma_wait3A_46, %add3A, %dma_wait3A_53] : memref<100x32x4096xf32, #tpu.memory_space<hbm>> -> memref<1x1x4096xf32, #tpu.memory_space<hbm>>
    %dma_wait3A_55 = tpu.memref_squeeze %dma_wait3A_54 : memref<1x1x4096xf32, #tpu.memory_space<hbm>> -> memref<4096xf32, #tpu.memory_space<hbm>>
    %dma_wait3A_56 = arith.constant 0 : i32
    %dma_wait3A_57 = tpu.memref_slice %arg9[%dma_wait3A_45, %dma_wait3A_56] : memref<2x4096xf32, #tpu.memory_space<vmem>> -> memref<1x4096xf32, #tpu.memory_space<vmem>>
    %dma_wait3A_58 = tpu.memref_squeeze %dma_wait3A_57 : memref<1x4096xf32, #tpu.memory_space<vmem>> -> memref<4096xf32, #tpu.memory_space<vmem>>
    tpu.wait_dma2 semaphore(%arg13 : memref<!tpu.dma_semaphore, #tpu.memory_space<semaphore_mem>>) src(%dma_wait3A_58 : memref<4096xf32, #tpu.memory_space<vmem>>) dst(%dma_wait3A_55 : memref<4096xf32, #tpu.memory_space<hbm>>)
    return
  }
}

</mosaic_0001>

<sc_bundles>
// kernel: kernel.3.cloned.1.call-start
scs
__scs_entry_jumppad:
0x0: {  	(pc) =	sbr.rel $0x88, $3  }
0x1: {  	(tag) =	ssettag $0x0;
	lr =	simm.s32 $0x1  }
0x2: {  	[smem:$0x3F9E] =	sst lr;
	_ =	strace $0xD0000000  }
0x3: {  	_ = 	snop  }
0x4: {  	_ = 	snop  }
0x5: {  	_ = 	snop  }
0x6: {  	_ = 	snop  }
0x7: {  	_ = 	snop  }
__scs_overlays_trampoline_lowered:
0x8: {  	[smem:$0x3FAD] =	sst s0  }
0x9: {  	[smem:$0x3FAE] =	sst s1  }
0xa: {  	[smem:$0x3FAF] =	sst s2  }
0xb: {  	[smem:$0x3FB0] =	sst s3  }
0xc: {  	[smem:$0x3FB1] =	sst s4  }
0xd: {  	[smem:$0x3FB2] =	sst s5  }
0xe: {  	[smem:$0x3FB3] =	sst s6  }
0xf: {  	[smem:$0x3FB4] =	sst s7  }
0x10: {  	[smem:$0x3FB5] =	sst s8  }
0x11: {  	[smem:$0x3FB6] =	sst s9;
	s0 =	simm.s32 @!p0 $0x0  }
0x12: {  	s1 =	sld [smem:$0x3F9C];
	s0 =	simm.s32 @p0 $0x1  }
0x13: {  	[smem:$0x3FB7] =	sst s0;
	s0 =	simm.s32 @!p1 $0x0  }
0x14: {  	s2 =	sld [smem:$0x3F9B];
	s0 =	simm.s32 @p1 $0x1  }
0x15: {  	[smem:$0x3FB8] =	sst s0;
	s0 =	simm.s32 @!p2 $0x0  }
0x16: {  	s3 =	sld [smem:$0x3FDB];
	s0 =	simm.s32 @p2 $0x1  }
0x17: {  	s4 =	simm.s32 $0x1BF5;
	[smem:$0x3FBA] =	sst s0  }
0x18: {  	s0 =	sld [smem:$0x3F9D];
	_ =	swait.ge [sflag:s4], $0x0  }
0x19: {  	s7 =	sld [smem:$0x3F9E]  }
0x1a: {  	s8 =	sadd.s32 $0xFFFFE003, lr  }
0x1b: {  	s9 =	sadd.s32 $0xFFFFFEF7, lr;
	s5 =	simm.s32 $0xFFFFFFFF;
	p2 =	slt.u32 s8, $0xFFFFF086  }
0x1c: {  	p1 =	slt.u32 s9, $0xF7A;
	s5 =	simm.s32 @!p2 $0x0  }
0x1d: {  	s5 =	simm.s32 @p1 $0x1;
	p0 =	seq.s32 s7, s2  }
0x1e: {  	s7 =	smul.u32 @!p0 $0xF7A, s2;
	p2 =	seq.s32 @!p0 s5, $0x0  }
0x1f: {  	s9 =	smul.u32 $0xF7A, s1;
	s8 =	simm.s32 @!p0 $0x1BF5;
	p2 =	por !p2, p0  }
0x20: {  	[sflag:s8] =	ssyncset.s32 @!p0 $0xFFFFF086;
	s6 =	sadd.s32 @!p0 s3, s7;
	s7 =	simm.s32 @!p0 $0x108  }
0x21: {  	s3 =	sadd.s32 s3, s9;
	s6 =	sadd.s32 @!p0 $0x88, s6;
	s7 =	simm.s32 @p2 $0x1082  }
0x22: {  	[simem:s7], [sflag:s8] =	dma.local @!p0 [hbm:s6], $0xF7A  }
0x23: {  	s9 =	sor.u32 $0xD0000000, s2;
	s6 =	simm.s32 $0x108;
	_ =	swait.ge @!p0 [sflag:s8], $0x0  }
0x24: {  	s3 =	sadd.s32 $0x88, s3;
	s6 =	simm.s32 @!p1 $0x1082;
	[sflag:s4] =	ssyncset.s32 $0xFFFFF086  }
0x25: {  	[simem:s6], [sflag:s4] =	dma.local [hbm:s3], $0xF7A  }
0x26: {  	[smem:$0x3F9E] =	sst s1;
	(tag) =	ssettag s2;
	_ =	strace s9  }
0x27: {  	s1 =	sld [smem:$0x3FAE]  }
0x28: {  	s2 =	sld [smem:$0x3FAF]  }
0x29: {  	s4 =	sld [smem:$0x3FB1]  }
0x2a: {  	p0 =	seq.s32 s5, $0x0;
	s5 =	sld [smem:$0x3FB2]  }
0x2b: {  	s6 =	sld [smem:$0x3FB3]  }
0x2c: {  	s7 =	sld [smem:$0x3FB4]  }
0x2d: {  	s3 =	simm.s32 $0x108;
	s8 =	sld [smem:$0x3FB5]  }
0x2e: {  	s3 =	simm.s32 @!p0 $0x1082;
	s9 =	sld [smem:$0x3FB6]  }
0x2f: {  	lr =	sadd.s32 s0, s3;
	s0 =	sld [smem:$0x3FAD]  }
0x30: {  	s3 =	sld [smem:$0x3FB0]  }
0x31: {  	[smem:$0x3FB9] =	sst s10  }
0x32: {  	s10 =	sld [smem:$0x3FB7];
	_ =	sdelay $0x3  }
0x33: {  	p0 =	seq.s32 s10, $0x1;
	s10 =	sld [smem:$0x3FB9];
	_ =	sdelay $0x3  }
0x34: {  	[smem:$0x3FB9] =	sst s10  }
0x35: {  	s10 =	sld [smem:$0x3FB8];
	_ =	sdelay $0x3  }
0x36: {  	p1 =	seq.s32 s10, $0x1;
	s10 =	sld [smem:$0x3FB9];
	_ =	sdelay $0x3  }
0x37: {  	[smem:$0x3FB9] =	sst s10  }
0x38: {  	s10 =	sld [smem:$0x3FBA]  }
0x39: {  	_ = 	snop;
	(pc) =	sbr.ind lr, $3  }
0x3a: {  	_ = 	snop  }
0x3b: {  	_ = 	snop  }
0x3c: {  	p2 =	seq.s32 s10, $0x1;
	s10 =	sld [smem:$0x3FB9]  }
0x3d: {  	_ =	shalt  }
0x3e: {  	_ =	shalt  }
0x3f: {  	_ =	shalt  }
0x40: {  	_ =	shalt  }
0x41: {  	_ =	shalt  }
0x42: {  	_ =	shalt  }
0x43: {  	_ =	shalt  }
0x44: {  	_ =	shalt  }
0x45: {  	_ =	shalt  }
0x46: {  	_ =	shalt  }
0x47: {  	_ =	shalt  }
0x48: {  	_ =	shalt  }
0x49: {  	_ =	shalt  }
0x4a: {  	_ =	shalt  }
0x4b: {  	_ =	shalt  }
0x4c: {  	_ =	shalt  }
0x4d: {  	_ =	shalt  }
0x4e: {  	_ =	shalt  }
0x4f: {  	_ =	shalt  }
0x50: {  	_ =	shalt  }
0x51: {  	_ =	shalt  }
0x52: {  	_ =	shalt  }
0x53: {  	_ =	shalt  }
0x54: {  	_ =	shalt  }
0x55: {  	_ =	shalt  }
0x56: {  	_ =	shalt  }
0x57: {  	_ =	shalt  }
0x58: {  	_ =	shalt  }
0x59: {  	_ =	shalt  }
0x5a: {  	_ =	shalt  }
0x5b: {  	_ =	shalt  }
0x5c: {  	_ =	shalt  }
0x5d: {  	_ =	shalt  }
0x5e: {  	_ =	shalt  }
0x5f: {  	_ =	shalt  }
0x60: {  	_ =	shalt  }
0x61: {  	_ =	shalt  }
0x62: {  	_ =	shalt  }
0x63: {  	_ =	shalt  }
0x64: {  	_ =	shalt  }
0x65: {  	_ =	shalt  }
0x66: {  	_ =	shalt  }
0x67: {  	_ =	shalt  }
0x68: {  	_ =	shalt  }
0x69: {  	_ =	shalt  }
0x6a: {  	_ =	shalt  }
0x6b: {  	_ =	shalt  }
0x6c: {  	_ =	shalt  }
0x6d: {  	_ =	shalt  }
0x6e: {  	_ =	shalt  }
0x6f: {  	_ =	shalt  }
0x70: {  	_ =	shalt  }
0x71: {  	_ =	shalt  }
0x72: {  	_ =	shalt  }
0x73: {  	_ =	shalt  }
0x74: {  	_ =	shalt  }
0x75: {  	_ =	shalt  }
0x76: {  	_ =	shalt  }
0x77: {  	_ =	shalt  }
0x78: {  	_ =	shalt  }
0x79: {  	_ =	shalt  }
0x7a: {  	_ =	shalt  }
0x7b: {  	_ =	shalt  }
0x7c: {  	_ =	shalt  }
0x7d: {  	_ =	shalt  }
0x7e: {  	_ =	shalt  }
0x7f: {  	_ =	shalt  }
0x80: {  	_ =	shalt  }
0x81: {  	_ =	shalt  }
0x82: {  	_ =	shalt  }
0x83: {  	_ =	shalt  }
0x84: {  	_ =	shalt  }
0x85: {  	_ =	shalt  }
0x86: {  	_ =	shalt  }
0x87: {  	_ =	shalt  }
.Lfunc_end0:
.L_simem_size_0:
called_computation_lowered:
.L_overlay_start_0:
0x88: {  	s2 =	sld [smem:$0x3FD9]  }
0x89: {  	s3 =	sld [smem:$0x3FFE];
	_ =	sdelay $0x1  }
0x8a: {  	s1 =	srdreg.scid  }
0x8b: {  	s0 =	sand.u32 $0x1, s1  }
0x8c: {  	s18 =	sshll.u32 s0, $0xA;
	s2 =	sadd.s32 s3, s2  }
0x8d: {  	s2 =	sadd.s32 s2, s18  }
0x8e: {  	[smem:$0x3FC5] =	sst s2  }
0x8f: {  	_ = 	snop  }
0x90: {  	s2 =	sld [smem:$0x3FC9]  }
0x91: {  	s19 =	sld [smem:$0x3FC8]  }
0x92: {  	s4 =	sld [smem:$0x3FC7]  }
0x93: {  	s5 =	sld [smem:$0x3FD0];
	(tm) =	ssettm $0x1  }
0x94: {  	s6 =	sld [smem:$0x3FFB];
	_ =	sdelay $0x3  }
0x95: {  	_ =	strace s6  }
0x96: {  	s6 =	sld [smem:$0x3FFC];
	_ =	sdelay $0x3  }
0x97: {  	_ =	strace s6  }
0x98: {  	s6 =	sld [smem:$0x3FFD];
	_ =	sdelay $0x3  }
0x99: {  	_ =	strace s6  }
0x9a: {  	_ =	strace $0x8FFFFFFF  }
0x9b: {  	s20 =	sld [smem:$0x3FDB];
	_ =	sdelay $0x1  }
0x9c: {  	s7 =	simm.s32 $_scs_section_size  }
0x9d: {  	s8 =	simm.s32 $_size__tile_overlayer_lowered;
	s9 =	simm.s32 $_tile_overlayer_lowered  }
0x9e: {  	s23 =	simm.s32 $0x1BFF;
	s22 =	sshll.u32 s9, $0x1;
	s6 =	sadd.s32 s7, s20  }
0x9f: {  	s10 =	simm.s32 $0x0;
	s21 =	sshll.u32 s8, $0x1;
	s8 =	sadd.s32 s22, s6  }
0xa0: {  	[timem:s10], [sflag:s23] =	dma.local [hbm:s8], s21  }
0xa1: {  	_ =	swait.ge [sflag:s23], s21  }
0xa2: {  	s7 =	ssub.s32 $0x0, s21;
	[sflag:s23] =	ssyncset.done $0x0  }
0xa3: {  	[sflag:s23] =	ssyncadd.s32 s7;
	_ =	sdelay $0x1  }
0xa4: {  	s24 =	simm.s32 $0x1B8B  }
0xa5: {  	_ =	swait.ge [sflag:s24], $0x1  }
0xa6: {  	[sflag:s24] =	ssyncset.done $0x0  }
0xa7: {  	s25 =	simm.s32 $0x1B8E;
	[sflag:s24] =	ssyncadd.s32 $0xFFFFFFFF  }
0xa8: {  	s26 =	simm.s32 $execute0_lowered;
	[smem:$0x3FD2] =	sst s25  }
0xa9: {  	s7 =	sshll.u32 s26, $0x1;
	_ =	strace $0x80000046;
	[dreg:$0x1] =	wrdreg $0xFFFFFFFF  }
0xaa: {  	s28 =	simm.s32 $_size_execute0_lowered;
	s6 =	sadd.s32 s6, s7;
	[dreg:$0x0] =	wrdreg $0x0  }
0xab: {  	s7 =	sshll.u32 s28, $0x1;
	[dreg:$0x2] =	wrdreg s6  }
0xac: {  	[dreg:$0x3] =	wrdreg s7  }
0xad: {  	[dreg:$0x4] =	wrdreg $0xC0  }
0xae: {  	_ =	task [dreg:s10], $0x5FFFF  }
0xaf: {  	[dreg:$0x1] =	wrdreg $0xFFFFFFFF  }
0xb0: {  	[dreg:$0x0] =	wrdreg $0x60  }
0xb1: {  	[dreg:$0x2] =	wrdreg s2  }
0xb2: {  	[dreg:$0x3] =	wrdreg s19  }
0xb3: {  	[dreg:$0x4] =	wrdreg s4  }
0xb4: {  	[dreg:$0x5] =	wrdreg s5  }
0xb5: {  	[dreg:$0x6] =	wrdreg $0x9  }
0xb6: {  	_ =	task.clear_ibuf [dreg:s10], $0x7FFFF;
	_ =	strace $0x90000046  }
0xb7: {  	s29 =	simm.s32 $0x9;
	_ =	strace $0x80000048  }
0xb8: {  	_ =	swait.ge [sflag:s29], $0x1  }
0xb9: {  	[sflag:s29] =	ssyncadd.s32 $0xFFFFFFFF  }
0xba: {  	_ =	strace $0x90000048  }
0xbb: {  	_ =	sfence  }
0xbc: {  	s30 =	sld [smem:$0x0];
	_ =	sdelay $0x2  }
0xbd: {  	s31 =	sshll.u32 s1, $0xD;
	s1 =	sshrl.u32 s1, $0x2  }
0xbe: {  	s3 =	sand.u32 $0x4000, s31;
	s1 =	sadd.s32 s1, s30  }
0xbf: {  	s0 =	sor.u32 s3, s0;
	s1 =	sshll.u32 s1, $0x11  }
0xc0: {  	s0 =	sor.u32 s1, s0  }
0xc1: {  	s0 =	sadd.s32 $0x8F2B, s0  }
0xc2: {  	[sflag:s0] =	ssyncadd.remote.s32 $0x1  }
0xc3: {  	_ =	sfence.sel $0xFFFF  }
0xc4: {  	[dreg:$0x0] =	wrdreg $0xFFFFFFFF;
	(pc) =	sbr.abs _section_cstart, $3  }
0xc5: {  	[dreg:$0x1] =	wrdreg $0xFFFFFFFF  }
0xc6: {  	_ =	task.clear_ibuf [dreg:s10], $0x2FFFF;
	_ =	strace $0x9FFFFFFF  }
0xc7: {  	(tm) =	ssettm $0x7FFFFFFF  }
tec
execute0_lowered:
.L_overlay_start_1:
0x0: {  	(tag) =	ssettag $0x1  }
0x1: {  	s1 =	rddreg [dreg:$0x0]  }
0x2: {  	s5 =	rddreg [dreg:$0x1]  }
0x3: {  	s6 =	rddreg [dreg:$0x2]  }
0x4: {  	s2 =	rddreg [dreg:$0x3]  }
0x5: {  	s0 =	rddreg [dreg:$0x4]  }
0x6: {  	s4 =	simm.s32 $0x0;
	s7 =	srdreg.scid;
	s3 =	stileid.u32  }
0x7: {  	s13 =	simm.s32 $0x18700;
	s14 =	simm.s32 $0x1;
	s15 =	simm.s32 $0x2  }
0x8: {  	s16 =	simm.s32 $0x3;
	s17 =	simm.s32 $0x4;
	s18 =	simm.s32 $0x0  }
0x9: {  	[smem:$0x7FF] =	sst s4;
	s7 =	sand.u32 $0x1, s7;
	s8 =	sshrl.u32 s3, $0x2  }
0xa: {  	s9 =	sshll.u32 s3, $0x8;
	_ =	strace $0x80000047;
	s10 =	sshll.u32 s7, $0x7  }
0xb: {  	s9 =	sand.u32 $0x300, s9;
	s11 =	smul.u32 $0xC3800, s8;
	s7 =	ssub.s32 $0x2, s7  }
0xc: {  	s29 =	sshll.u32 s8, $0xA;
	s31 =	sshll.u32 s8, $0xF;
	s9 =	sor.u32 s10, s9  }
.Ltmp0:
0xd: {  	s12 =	sshrl.u32 s7, $0x1;
	s11 =	sor.u32 s11, s9;
	(pc) =	sbr.rel .LBB2_1-.Ltmp0, $4  }
0xe: {  	s10 =	sor.u32 s29, s9;
	s12 =	ssub.s32 s7, s12;
	s7 =	sadd.s32 $0x10, s1  }
0xf: {  	s9 =	sor.u32 s9, s31;
	s30 =	sshrl.u32 s11, $0x3;
	s10 =	sshrl.u32 s10, $0x3  }
0x10: {  	s8 =	smax.u32 s12, $0x1;
	s11 =	simm.s32 $0x400;
	s12 =	simm.s32 $0x5  }
0x11: {  	s5 =	sadd.s32 s5, s30;
	s6 =	sadd.s32 s6, s10;
	s10 =	simm.s32 $0x80  }
.LBB2_22:
0x12: {  	s18 =	sadd.s32 $0x1, s18  }
0x13: {  	_ =	swait.ge [sflag:s16], $0x1000;
	p0 =	sne.s32 s18, s8  }
.Ltmp1:
0x14: {  	[sflag:s16] =	ssyncset.done $0x0;
	(pc) =	sbr.rel @!p0 .LBB2_23-.Ltmp1, $4  }
0x15: {  	[sflag:s16] =	ssyncadd.s32 $0xFFFFF000  }
0x16: {  	_ =	swait.ge [sflag:s17], $0x1000  }
0x17: {  	[sflag:s17] =	ssyncset.done $0x0  }
0x18: {  	[sflag:s17] =	ssyncadd.s32 $0xFFFFF000  }
.LBB2_1:
0x19: {  	[tilespmem:s4], [sflag:$0x5] =	stream.strided.gather [hbm4b:s5+s10], $0x18700, s11, s10, $0x38;
	[tilespmem:$0x1C780] =	vst v63  }
0x1a: {  	_ =	swait.ge [sflag:s12], $0x18700  }
0x1b: {  	[sflag:s12] =	ssyncset.done $0x0  }
0x1c: {  	[sflag:s12] =	ssyncadd.s32 $0xFFFE7900  }
0x1d: {  	[tilespmem:s13], [sflag:$0x5] =	stream.linear.gather [hbm4b:s6+s4], $0x80, $0x38;
	[tilespmem:$0x1C780] =	vst v63  }
0x1e: {  	_ =	swait.ge [sflag:s12], $0x80  }
0x1f: {  	s19 =	simm.s32 $0x18780;
	s20 =	simm.s32 $0x80;
	[sflag:s12] =	ssyncset.done $0x0  }
0x20: {  	s22 =	sadd.s32 $0x0, s1;
	s21 =	simm.s32 $0x18880;
	[sflag:s12] =	ssyncadd.s32 $0xFFFFFF80  }
.LBB2_2:
0x21: {  	[tilespmem:s19], [sflag:$0x1] =	stream.linear.gather [hbm4b:s22+s4], $0x80, $0x38;
	[tilespmem:$0x1C780] =	vst v63  }
0x22: {  	s22 =	smov.u32 s20;
	s19 =	smov.u32 s21;
	p0 =	sne.s32 s20, $0xF80  }
.Ltmp2:
0x23: {  	s20 =	sadd.s32 $0x80, s20;
	(pc) =	sbr.rel @p0 .LBB2_2-.Ltmp2, $2  }
0x24: {  	_ =	sdelay $0x2  }
0x25: {  	s21 =	sadd.s32 $0x100, s21;
	s22 =	sadd.s32 s22, s1  }
0x26: {  	[tilespmem:s19], [sflag:$0x1] =	stream.linear.gather [hbm4b:s22+s4], $0x80, $0x38;
	[tilespmem:$0x1C780] =	vst v63  }
0x27: {  	s19 =	simm.s32 $0x0;
	s20 =	simm.s32 $0x18800  }
0x28: {  	s21 =	simm.s32 $0x80;
	s23 =	sadd.s32 $0x0, s7;
	s22 =	simm.s32 $0x18900  }
.LBB2_4:
0x29: {  	[tilespmem:s20], [sflag:$0x2] =	stream.linear.gather [hbm4b:s23+s19], $0x80, $0x38;
	[tilespmem:$0x1C780] =	vst v63  }
0x2a: {  	s23 =	smov.u32 s21;
	s20 =	smov.u32 s22;
	p0 =	sne.s32 s21, $0xF80  }
.Ltmp3:
0x2b: {  	s21 =	sadd.s32 $0x80, s21;
	(pc) =	sbr.rel @p0 .LBB2_4-.Ltmp3, $2  }
0x2c: {  	_ =	sdelay $0x2  }
0x2d: {  	s22 =	sadd.s32 $0x100, s22;
	s23 =	sadd.s32 s23, s7  }
0x2e: {  	[tilespmem:s20], [sflag:$0x2] =	stream.linear.gather [hbm4b:s23+s19], $0x80, $0x38;
	[tilespmem:$0x1C780] =	vst v63  }
.LBB2_6:
0x2f: {  	_ =	swait.ge [sflag:s14], $0x1000  }
0x30: {  	p0 =	seq.s32 s19, $0x0;
	[sflag:s14] =	ssyncset.done $0x0  }
0x31: {  	s21 =	simm.s32 @!p0 $0x3;
	[sflag:s14] =	ssyncadd.s32 $0xFFFFF000  }
0x32: {  	_ =	swait.ge @!p0 [sflag:s21], $0x1000  }
0x33: {  	[sflag:s21] =	ssyncset.done @!p0 $0x0  }
0x34: {  	s31 =	simm.s32 $0x18880;
	[sflag:s21] =	ssyncadd.s32 @!p0 $0xFFFFF000  }
0x35: {  	v1 =	vld [tilespmem:s31+$0x70]  }
0x36: {  	v2 =	vld [tilespmem:s31+$0xFFFFFF10]  }
0x37: {  	v3 =	vld [tilespmem:s31+$0xFFFFFF20]  }
0x38: {  	v4 =	vld [tilespmem:s31+$0xFFFFFF30]  }
0x39: {  	v5 =	vld [tilespmem:s31+$0xFFFFFF40]  }
0x3a: {  	v6 =	vld [tilespmem:s31+$0xFFFFFF50]  }
0x3b: {  	v7 =	vld [tilespmem:s31+$0xFFFFFF60]  }
0x3c: {  	s20 =	sshll.u32 s19, $0x1;
	v8 =	vld [tilespmem:s31+$0xFFFFFF70]  }
0x3d: {  	v0 =	vmov s20;
	v9 =	vld [tilespmem:s31+$0x0]  }
0x3e: {  	v0 =	vand.u32 $0xFFFFFFFE, v0;
	v10 =	vld [tilespmem:s31+$0x10]  }
0x3f: {  	v0 =	vbroadcast v0, $0x0;
	v11 =	vld [tilespmem:s31+$0x20]  }
0x40: {  	v12 =	vld [tilespmem:s31+$0x30]  }
0x41: {  	v13 =	vld [tilespmem:s31+$0x40]  }
0x42: {  	v14 =	vld [tilespmem:s31+$0x50]  }
0x43: {  	v15 =	vld [tilespmem:s31+$0x60]  }
0x44: {  	v16 =	vld [tilespmem:s31+$0xFFFFFF00]  }
0x45: {  	v0 =	vld.idx.msk [tilespmem:v0+s13+$0x0], $0xffff  }
0x46: {  	v1 =	vld.idx.msk [tilespmem:v1+s4+$0x0], $0xffff  }
0x47: {  	v2 =	vld.idx.msk [tilespmem:v2+s4+$0x0], $0xffff  }
0x48: {  	v3 =	vld.idx.msk [tilespmem:v3+s4+$0x0], $0xffff  }
0x49: {  	v8 =	vld.idx.msk [tilespmem:v8+s4+$0x0], $0xffff  }
0x4a: {  	v4 =	vld.idx.msk [tilespmem:v4+s4+$0x0], $0xffff  }
0x4b: {  	v5 =	vld.idx.msk [tilespmem:v5+s4+$0x0], $0xffff  }
0x4c: {  	v6 =	vld.idx.msk [tilespmem:v6+s4+$0x0], $0xffff;
	v1 =	vadd.f32 v1, v0  }
0x4d: {  	s21 =	simm.s32 $0x1A880;
	v7 =	vld.idx.msk [tilespmem:v7+s4+$0x0], $0xffff;
	v2 =	vadd.f32 v2, v0  }
0x4e: {  	v16 =	vld.idx.msk [tilespmem:v16+s4+$0x0], $0xffff;
	v8 =	vadd.f32 v8, v0;
	[tilespmem:s21+$0x70] =	vst v1  }
0x4f: {  	v9 =	vld.idx.msk [tilespmem:v9+s4+$0x0], $0xffff;
	v1 =	vadd.f32 v3, v0;
	[tilespmem:s21+$0xFFFFFF10] =	vst v2  }
0x50: {  	v2 =	vadd.f32 v4, v0;
	v3 =	vadd.f32 v5, v0;
	v5 =	vld.idx.msk [tilespmem:v13+s4+$0x0], $0xffff;
	[tilespmem:s21+$0xFFFFFF70] =	vst v8  }
0x51: {  	[tilespmem:s21+$0xFFFFFF20] =	vst v1;
	v1 =	vld.idx.msk [tilespmem:v10+s4+$0x0], $0xffff  }
0x52: {  	v4 =	vadd.f32 v6, v0;
	[tilespmem:s21+$0xFFFFFF30] =	vst v2;
	v2 =	vld.idx.msk [tilespmem:v11+s4+$0x0], $0xffff  }
0x53: {  	v6 =	vadd.f32 v7, v0;
	[tilespmem:s21+$0xFFFFFF40] =	vst v3;
	v3 =	vld.idx.msk [tilespmem:v12+s4+$0x0], $0xffff  }
0x54: {  	v7 =	vadd.f32 v16, v0;
	[tilespmem:s21+$0xFFFFFF50] =	vst v4;
	v4 =	vld.idx.msk [tilespmem:v14+s4+$0x0], $0xffff  }
0x55: {  	s22 =	simm.s32 $0x0;
	s23 =	simm.s32 $0x18A80;
	v8 =	vadd.f32 v9, v0;
	[tilespmem:s21+$0xFFFFFF60] =	vst v6;
	v6 =	vld.idx.msk [tilespmem:v15+s4+$0x0], $0xffff  }
.LBB2_7:
0x56: {  	v9 =	vld [tilespmem:s23+$0x70];
	s22 =	sadd.s32 $0x10, s22;
	[tilespmem:s21+$0xFFFFFF00] =	vst v7;
	v1 =	vadd.f32 v1, v0  }
0x57: {  	v2 =	vadd.f32 v2, v0;
	v7 =	vld [tilespmem:s23+$0xFFFFFF10];
	p1 =	slt.u32 s22, $0xF0;
	[tilespmem:s21+$0x0] =	vst v8  }
0x58: {  	v8 =	vld [tilespmem:s23+$0xFFFFFF20];
	[tilespmem:s21+$0x10] =	vst v1;
	v1 =	vadd.f32 v3, v0  }
0x59: {  	v3 =	vld [tilespmem:s23+$0xFFFFFF30];
	[tilespmem:s21+$0x20] =	vst v2;
	v2 =	vadd.f32 v5, v0  }
0x5a: {  	v5 =	vld [tilespmem:s23+$0xFFFFFF40];
	[tilespmem:s21+$0x30] =	vst v1;
	v1 =	vadd.f32 v4, v0  }
0x5b: {  	v4 =	vld [tilespmem:s23+$0xFFFFFF50];
	[tilespmem:s21+$0x40] =	vst v2;
	v2 =	vadd.f32 v6, v0  }
0x5c: {  	v6 =	vld [tilespmem:s23+$0xFFFFFF60];
	[tilespmem:s21+$0x50] =	vst v1  }
0x5d: {  	v1 =	vld [tilespmem:s23+$0xFFFFFF70];
	[tilespmem:s21+$0x60] =	vst v2  }
0x5e: {  	v2 =	vld.idx.msk [tilespmem:v9+s4+$0x0], $0xffff  }
0x5f: {  	v9 =	vld [tilespmem:s23+$0x0]  }
0x60: {  	v10 =	vld [tilespmem:s23+$0x10]  }
0x61: {  	v11 =	vld [tilespmem:s23+$0x20]  }
0x62: {  	v12 =	vld [tilespmem:s23+$0x30]  }
0x63: {  	v13 =	vld [tilespmem:s23+$0x40]  }
0x64: {  	v2 =	vadd.f32 v2, v0;
	v14 =	vld [tilespmem:s23+$0x50]  }
0x65: {  	s21 =	sadd.s32 $0x200, s21;
	v15 =	vld [tilespmem:s23+$0x60]  }
0x66: {  	v16 =	vld [tilespmem:s23+$0xFFFFFF00];
	[tilespmem:s21+$0x70] =	vst v2  }
0x67: {  	v2 =	vld.idx.msk [tilespmem:v7+s4+$0x0], $0xffff  }
0x68: {  	v7 =	vld.idx.msk [tilespmem:v8+s4+$0x0], $0xffff  }
0x69: {  	v3 =	vld.idx.msk [tilespmem:v3+s4+$0x0], $0xffff  }
0x6a: {  	v5 =	vld.idx.msk [tilespmem:v5+s4+$0x0], $0xffff  }
0x6b: {  	v4 =	vld.idx.msk [tilespmem:v4+s4+$0x0], $0xffff  }
0x6c: {  	v6 =	vld.idx.msk [tilespmem:v6+s4+$0x0], $0xffff  }
0x6d: {  	v2 =	vadd.f32 v2, v0;
	v8 =	vld.idx.msk [tilespmem:v1+s4+$0x0], $0xffff  }
0x6e: {  	v1 =	vadd.f32 v7, v0;
	v16 =	vld.idx.msk [tilespmem:v16+s4+$0x0], $0xffff  }
0x6f: {  	[tilespmem:s21+$0xFFFFFF10] =	vst v2;
	v2 =	vadd.f32 v3, v0;
	v9 =	vld.idx.msk [tilespmem:v9+s4+$0x0], $0xffff  }
0x70: {  	v3 =	vadd.f32 v5, v0;
	[tilespmem:s21+$0xFFFFFF20] =	vst v1;
	v1 =	vld.idx.msk [tilespmem:v10+s4+$0x0], $0xffff  }
.Ltmp4:
0x71: {  	v4 =	vadd.f32 v4, v0;
	[tilespmem:s21+$0xFFFFFF30] =	vst v2;
	v2 =	vld.idx.msk [tilespmem:v11+s4+$0x0], $0xffff;
	(pc) =	sbr.rel @p1 .LBB2_7-.Ltmp4, $4  }
0x72: {  	v6 =	vadd.f32 v6, v0;
	[tilespmem:s21+$0xFFFFFF40] =	vst v3;
	v3 =	vld.idx.msk [tilespmem:v12+s4+$0x0], $0xffff  }
0x73: {  	v8 =	vadd.f32 v8, v0;
	[tilespmem:s21+$0xFFFFFF50] =	vst v4;
	v5 =	vld.idx.msk [tilespmem:v13+s4+$0x0], $0xffff  }
0x74: {  	v7 =	vadd.f32 v16, v0;
	[tilespmem:s21+$0xFFFFFF60] =	vst v6;
	v4 =	vld.idx.msk [tilespmem:v14+s4+$0x0], $0xffff  }
0x75: {  	s23 =	sadd.s32 $0x200, s23;
	[tilespmem:s21+$0xFFFFFF70] =	vst v8;
	v8 =	vadd.f32 v9, v0;
	v6 =	vld.idx.msk [tilespmem:v15+s4+$0x0], $0xffff  }
0x76: {  	[tilespmem:s21+$0xFFFFFF00] =	vst v7;
	v1 =	vadd.f32 v1, v0  }
0x77: {  	v2 =	vadd.f32 v2, v0;
	[tilespmem:s21+$0x0] =	vst v8  }
0x78: {  	v60 =	vadd.f32 v3, v0;
	[tilespmem:s21+$0x10] =	vst v1  }
0x79: {  	s22 =	sshll.u32 s19, $0x12;
	[tilespmem:s21+$0x20] =	vst v2;
	v61 =	vadd.f32 v5, v0  }
0x7a: {  	s22 =	sor.u32 s9, s22;
	[tilespmem:s21+$0x30] =	vst v60;
	v62 =	vadd.f32 v4, v0  }
0x7b: {  	s22 =	sshrl.u32 s22, $0x3;
	[tilespmem:s21+$0x40] =	vst v61;
	v63 =	vadd.f32 v6, v0  }
0x7c: {  	s23 =	simm.s32 $0x1A780;
	s22 =	sadd.s32 s2, s22;
	[tilespmem:s21+$0x50] =	vst v62  }
0x7d: {  	s24 =	simm.s32 $0x1A880;
	s25 =	sadd.s32 $0x0, s22;
	[tilespmem:s21+$0x60] =	vst v63;
	s21 =	simm.s32 $0x80  }
.LBB2_9:
0x7e: {  	[hbm4b:s25+s4] =	stream.linear.scatter [tilespmem:s23], [sflag:$0x3], $0x80, $0x38;
	[tilespmem:$0x1C780] =	vst v63  }
0x7f: {  	s25 =	smov.u32 s21;
	s23 =	smov.u32 s24;
	p1 =	sne.s32 s21, $0xF80  }
.Ltmp5:
0x80: {  	s21 =	sadd.s32 $0x80, s21;
	(pc) =	sbr.rel @p1 .LBB2_9-.Ltmp5, $2  }
0x81: {  	_ =	sdelay $0x2  }
0x82: {  	s24 =	sadd.s32 $0x100, s24;
	s25 =	sadd.s32 s25, s22  }
0x83: {  	p1 =	seq.s32 s19, $0x31  }
.Ltmp6:
0x84: {  	_ = 	snop;
	(pc) =	sbr.rel @p1 .LBB2_14-.Ltmp6, $2  }
0x85: {  	_ =	sdelay $0x2  }
0x86: {  	[hbm4b:s25+s4] =	stream.linear.scatter [tilespmem:s23], [sflag:$0x3], $0x80, $0x38;
	[tilespmem:$0x1C780] =	vst v63  }
0x87: {  	s21 =	sadd.s32 $0x2, s20  }
0x88: {  	s22 =	sshll.u32 s21, $0x4  }
0x89: {  	s21 =	sshll.u32 s21, $0x9;
	s22 =	sand.u32 $0x60, s22  }
0x8a: {  	s21 =	sand.u32 $0x1F000, s21;
	s22 =	sadd.s32 s1, s22  }
0x8b: {  	s23 =	simm.s32 $0x80;
	s21 =	sadd.s32 s21, s22  }
0x8c: {  	s24 =	simm.s32 $0x18880;
	s22 =	simm.s32 $0x18780;
	s25 =	sadd.s32 $0x0, s21  }
.LBB2_12:
0x8d: {  	[tilespmem:s22], [sflag:$0x1] =	stream.linear.gather [hbm4b:s25+s4], $0x80, $0x38;
	[tilespmem:$0x1C780] =	vst v63  }
0x8e: {  	s25 =	smov.u32 s23;
	s22 =	smov.u32 s24;
	p2 =	sne.s32 s23, $0xF80  }
.Ltmp7:
0x8f: {  	s23 =	sadd.s32 $0x80, s23;
	(pc) =	sbr.rel @p2 .LBB2_12-.Ltmp7, $2  }
0x90: {  	_ =	sdelay $0x2  }
0x91: {  	s24 =	sadd.s32 $0x100, s24;
	s25 =	sadd.s32 s25, s21  }
0x92: {  	[tilespmem:s22], [sflag:$0x1] =	stream.linear.gather [hbm4b:s25+s4], $0x80, $0x38;
	[tilespmem:$0x1C780] =	vst v63  }
.LBB2_14:
0x93: {  	s21 =	sor.u32 $0x1, s20;
	_ =	swait.ge [sflag:s15], $0x1000  }
0x94: {  	[sflag:s15] =	ssyncset.done $0x0;
	v0 =	vmov s21  }
0x95: {  	s22 =	simm.s32 @!p0 $0x4;
	[sflag:s15] =	ssyncadd.s32 $0xFFFFF000  }
0x96: {  	_ =	swait.ge @!p0 [sflag:s22], $0x1000  }
0x97: {  	[sflag:s22] =	ssyncset.done @!p0 $0x0  }
0x98: {  	[sflag:s22] =	ssyncadd.s32 @!p0 $0xFFFFF000  }
0x99: {  	s31 =	simm.s32 $0x18900;
	v0 =	vld.idx.msk [tilespmem:v0+s13+$0x0], $0xffff  }
0x9a: {  	v1 =	vld [tilespmem:s31+$0x70]  }
0x9b: {  	v2 =	vld [tilespmem:s31+$0xFFFFFF10]  }
0x9c: {  	v3 =	vld [tilespmem:s31+$0xFFFFFF20]  }
0x9d: {  	v4 =	vld [tilespmem:s31+$0xFFFFFF30]  }
0x9e: {  	v5 =	vld [tilespmem:s31+$0xFFFFFF40]  }
0x9f: {  	v6 =	vld [tilespmem:s31+$0xFFFFFF50]  }
0xa0: {  	v7 =	vld [tilespmem:s31+$0xFFFFFF60]  }
0xa1: {  	v8 =	vld [tilespmem:s31+$0xFFFFFF70]  }
0xa2: {  	v9 =	vld [tilespmem:s31+$0x0]  }
0xa3: {  	v10 =	vld [tilespmem:s31+$0x10]  }
0xa4: {  	v11 =	vld [tilespmem:s31+$0x20]  }
0xa5: {  	v12 =	vld [tilespmem:s31+$0x30]  }
0xa6: {  	v13 =	vld [tilespmem:s31+$0x40]  }
0xa7: {  	v14 =	vld [tilespmem:s31+$0x50]  }
0xa8: {  	v15 =	vld [tilespmem:s31+$0x60]  }
0xa9: {  	v16 =	vld [tilespmem:s31+$0xFFFFFF00]  }
0xaa: {  	v1 =	vld.idx.msk [tilespmem:v1+s4+$0x0], $0xffff  }
0xab: {  	v2 =	vld.idx.msk [tilespmem:v2+s4+$0x0], $0xffff  }
0xac: {  	v3 =	vld.idx.msk [tilespmem:v3+s4+$0x0], $0xffff  }
0xad: {  	v8 =	vld.idx.msk [tilespmem:v8+s4+$0x0], $0xffff  }
0xae: {  	v4 =	vld.idx.msk [tilespmem:v4+s4+$0x0], $0xffff  }
0xaf: {  	v5 =	vld.idx.msk [tilespmem:v5+s4+$0x0], $0xffff  }
0xb0: {  	v6 =	vld.idx.msk [tilespmem:v6+s4+$0x0], $0xffff;
	v1 =	vadd.f32 v1, v0  }
0xb1: {  	s22 =	simm.s32 $0x1A900;
	v7 =	vld.idx.msk [tilespmem:v7+s4+$0x0], $0xffff;
	v2 =	vadd.f32 v2, v0  }
0xb2: {  	v16 =	vld.idx.msk [tilespmem:v16+s4+$0x0], $0xffff;
	v8 =	vadd.f32 v8, v0;
	[tilespmem:s22+$0x70] =	vst v1  }
0xb3: {  	v9 =	vld.idx.msk [tilespmem:v9+s4+$0x0], $0xffff;
	v1 =	vadd.f32 v3, v0;
	[tilespmem:s22+$0xFFFFFF10] =	vst v2  }
0xb4: {  	v2 =	vadd.f32 v4, v0;
	v3 =	vadd.f32 v5, v0;
	v5 =	vld.idx.msk [tilespmem:v13+s4+$0x0], $0xffff;
	[tilespmem:s22+$0xFFFFFF70] =	vst v8  }
0xb5: {  	[tilespmem:s22+$0xFFFFFF20] =	vst v1;
	v1 =	vld.idx.msk [tilespmem:v10+s4+$0x0], $0xffff  }
0xb6: {  	v4 =	vadd.f32 v6, v0;
	[tilespmem:s22+$0xFFFFFF30] =	vst v2;
	v2 =	vld.idx.msk [tilespmem:v11+s4+$0x0], $0xffff  }
0xb7: {  	v6 =	vadd.f32 v7, v0;
	[tilespmem:s22+$0xFFFFFF40] =	vst v3;
	v3 =	vld.idx.msk [tilespmem:v12+s4+$0x0], $0xffff  }
0xb8: {  	v7 =	vadd.f32 v16, v0;
	[tilespmem:s22+$0xFFFFFF50] =	vst v4;
	v4 =	vld.idx.msk [tilespmem:v14+s4+$0x0], $0xffff  }
0xb9: {  	s23 =	simm.s32 $0x0;
	s24 =	simm.s32 $0x18B00;
	v8 =	vadd.f32 v9, v0;
	[tilespmem:s22+$0xFFFFFF60] =	vst v6;
	v6 =	vld.idx.msk [tilespmem:v15+s4+$0x0], $0xffff  }
.LBB2_15:
0xba: {  	v9 =	vld [tilespmem:s24+$0x70];
	s23 =	sadd.s32 $0x10, s23;
	[tilespmem:s22+$0xFFFFFF00] =	vst v7;
	v1 =	vadd.f32 v1, v0  }
0xbb: {  	v2 =	vadd.f32 v2, v0;
	v7 =	vld [tilespmem:s24+$0xFFFFFF10];
	p0 =	slt.u32 s23, $0xF0;
	[tilespmem:s22+$0x0] =	vst v8  }
0xbc: {  	v8 =	vld [tilespmem:s24+$0xFFFFFF20];
	[tilespmem:s22+$0x10] =	vst v1;
	v1 =	vadd.f32 v3, v0  }
0xbd: {  	v3 =	vld [tilespmem:s24+$0xFFFFFF30];
	[tilespmem:s22+$0x20] =	vst v2;
	v2 =	vadd.f32 v5, v0  }
0xbe: {  	v5 =	vld [tilespmem:s24+$0xFFFFFF40];
	[tilespmem:s22+$0x30] =	vst v1;
	v1 =	vadd.f32 v4, v0  }
0xbf: {  	v4 =	vld [tilespmem:s24+$0xFFFFFF50];
	[tilespmem:s22+$0x40] =	vst v2;
	v2 =	vadd.f32 v6, v0  }
0xc0: {  	v6 =	vld [tilespmem:s24+$0xFFFFFF60];
	[tilespmem:s22+$0x50] =	vst v1  }
0xc1: {  	v1 =	vld [tilespmem:s24+$0xFFFFFF70];
	[tilespmem:s22+$0x60] =	vst v2  }
0xc2: {  	v2 =	vld.idx.msk [tilespmem:v9+s4+$0x0], $0xffff  }
0xc3: {  	v9 =	vld [tilespmem:s24+$0x0]  }
0xc4: {  	v10 =	vld [tilespmem:s24+$0x10]  }
0xc5: {  	v11 =	vld [tilespmem:s24+$0x20]  }
0xc6: {  	v12 =	vld [tilespmem:s24+$0x30]  }
0xc7: {  	v13 =	vld [tilespmem:s24+$0x40]  }
0xc8: {  	v2 =	vadd.f32 v2, v0;
	v14 =	vld [tilespmem:s24+$0x50]  }
0xc9: {  	s22 =	sadd.s32 $0x200, s22;
	v15 =	vld [tilespmem:s24+$0x60]  }
0xca: {  	v16 =	vld [tilespmem:s24+$0xFFFFFF00];
	[tilespmem:s22+$0x70] =	vst v2  }
0xcb: {  	v2 =	vld.idx.msk [tilespmem:v7+s4+$0x0], $0xffff  }
0xcc: {  	v7 =	vld.idx.msk [tilespmem:v8+s4+$0x0], $0xffff  }
0xcd: {  	v3 =	vld.idx.msk [tilespmem:v3+s4+$0x0], $0xffff  }
0xce: {  	v5 =	vld.idx.msk [tilespmem:v5+s4+$0x0], $0xffff  }
0xcf: {  	v4 =	vld.idx.msk [tilespmem:v4+s4+$0x0], $0xffff  }
0xd0: {  	v6 =	vld.idx.msk [tilespmem:v6+s4+$0x0], $0xffff  }
0xd1: {  	v2 =	vadd.f32 v2, v0;
	v8 =	vld.idx.msk [tilespmem:v1+s4+$0x0], $0xffff  }
0xd2: {  	v1 =	vadd.f32 v7, v0;
	v16 =	vld.idx.msk [tilespmem:v16+s4+$0x0], $0xffff  }
0xd3: {  	[tilespmem:s22+$0xFFFFFF10] =	vst v2;
	v2 =	vadd.f32 v3, v0;
	v9 =	vld.idx.msk [tilespmem:v9+s4+$0x0], $0xffff  }
0xd4: {  	v3 =	vadd.f32 v5, v0;
	[tilespmem:s22+$0xFFFFFF20] =	vst v1;
	v1 =	vld.idx.msk [tilespmem:v10+s4+$0x0], $0xffff  }
.Ltmp8:
0xd5: {  	v4 =	vadd.f32 v4, v0;
	[tilespmem:s22+$0xFFFFFF30] =	vst v2;
	v2 =	vld.idx.msk [tilespmem:v11+s4+$0x0], $0xffff;
	(pc) =	sbr.rel @p0 .LBB2_15-.Ltmp8, $4  }
0xd6: {  	v6 =	vadd.f32 v6, v0;
	[tilespmem:s22+$0xFFFFFF40] =	vst v3;
	v3 =	vld.idx.msk [tilespmem:v12+s4+$0x0], $0xffff  }
0xd7: {  	v8 =	vadd.f32 v8, v0;
	[tilespmem:s22+$0xFFFFFF50] =	vst v4;
	v5 =	vld.idx.msk [tilespmem:v13+s4+$0x0], $0xffff  }
0xd8: {  	v7 =	vadd.f32 v16, v0;
	[tilespmem:s22+$0xFFFFFF60] =	vst v6;
	v4 =	vld.idx.msk [tilespmem:v14+s4+$0x0], $0xffff  }
0xd9: {  	s24 =	sadd.s32 $0x200, s24;
	[tilespmem:s22+$0xFFFFFF70] =	vst v8;
	v8 =	vadd.f32 v9, v0;
	v6 =	vld.idx.msk [tilespmem:v15+s4+$0x0], $0xffff  }
0xda: {  	[tilespmem:s22+$0xFFFFFF00] =	vst v7;
	v1 =	vadd.f32 v1, v0  }
0xdb: {  	v2 =	vadd.f32 v2, v0;
	[tilespmem:s22+$0x0] =	vst v8  }
0xdc: {  	v60 =	vadd.f32 v3, v0;
	[tilespmem:s22+$0x10] =	vst v1  }
0xdd: {  	s21 =	sshll.u32 s21, $0x11;
	[tilespmem:s22+$0x20] =	vst v2;
	v61 =	vadd.f32 v5, v0  }
0xde: {  	s21 =	sor.u32 s9, s21;
	[tilespmem:s22+$0x30] =	vst v60;
	v62 =	vadd.f32 v4, v0  }
0xdf: {  	s21 =	sshrl.u32 s21, $0x3;
	[tilespmem:s22+$0x40] =	vst v61;
	v63 =	vadd.f32 v6, v0  }
0xe0: {  	s23 =	simm.s32 $0x1A800;
	s21 =	sadd.s32 s2, s21;
	[tilespmem:s22+$0x50] =	vst v62  }
0xe1: {  	s24 =	simm.s32 $0x1A900;
	s25 =	sadd.s32 $0x0, s21;
	[tilespmem:s22+$0x60] =	vst v63;
	s22 =	simm.s32 $0x80  }
.LBB2_17:
0xe2: {  	[hbm4b:s25+s4] =	stream.linear.scatter [tilespmem:s23], [sflag:$0x4], $0x80, $0x38;
	[tilespmem:$0x1C780] =	vst v63  }
0xe3: {  	s25 =	smov.u32 s22;
	s23 =	smov.u32 s24;
	p0 =	sne.s32 s22, $0xF80  }
.Ltmp9:
0xe4: {  	s22 =	sadd.s32 $0x80, s22;
	(pc) =	sbr.rel @p0 .LBB2_17-.Ltmp9, $2  }
0xe5: {  	_ =	sdelay $0x2  }
0xe6: {  	s24 =	sadd.s32 $0x100, s24;
	s25 =	sadd.s32 s25, s21  }
.Ltmp10:
0xe7: {  	(pc) =	sbr.rel @p1 .LBB2_22-.Ltmp10, $2  }
0xe8: {  	_ =	sdelay $0x2  }
0xe9: {  	[hbm4b:s25+s4] =	stream.linear.scatter [tilespmem:s23], [sflag:$0x4], $0x80, $0x38;
	[tilespmem:$0x1C780] =	vst v63  }
0xea: {  	s20 =	sadd.s32 $0x3, s20  }
0xeb: {  	s21 =	sshll.u32 s20, $0x4  }
0xec: {  	s20 =	sshll.u32 s20, $0x9;
	s21 =	sand.u32 $0x70, s21  }
0xed: {  	s20 =	sand.u32 $0x1F000, s20;
	s21 =	sadd.s32 s1, s21  }
0xee: {  	s22 =	simm.s32 $0x80;
	s20 =	sadd.s32 s20, s21  }
0xef: {  	s23 =	simm.s32 $0x18900;
	s21 =	simm.s32 $0x18800;
	s24 =	sadd.s32 $0x0, s20  }
.LBB2_20:
0xf0: {  	[tilespmem:s21], [sflag:$0x2] =	stream.linear.gather [hbm4b:s24+s4], $0x80, $0x38;
	[tilespmem:$0x1C780] =	vst v63  }
0xf1: {  	s24 =	smov.u32 s22;
	s21 =	smov.u32 s23;
	p0 =	sne.s32 s22, $0xF80  }
.Ltmp11:
0xf2: {  	s22 =	sadd.s32 $0x80, s22;
	(pc) =	sbr.rel @p0 .LBB2_20-.Ltmp11, $2  }
0xf3: {  	_ =	sdelay $0x2  }
0xf4: {  	s23 =	sadd.s32 $0x100, s23;
	s24 =	sadd.s32 s24, s20  }
.Ltmp12:
0xf5: {  	(pc) =	sbr.rel .LBB2_6-.Ltmp12, $3  }
0xf6: {  	_ =	sdelay $0x1  }
0xf7: {  	[tilespmem:s21], [sflag:$0x2] =	stream.linear.gather [hbm4b:s24+s4], $0x80, $0x38;
	[tilespmem:$0x1C780] =	vst v63  }
0xf8: {  	s19 =	sadd.s32 $0x1, s19  }
.LBB2_23:
0xf9: {  	_ =	sfence.sel $0x180000  }
0xfa: {  	[bflag:$0x0] =	sbarrier.arrive $0xFFFF  }
0xfb: {  	p0 =	sne.s32 s3, $0x0;
	_ =	strace $0x90000047  }
0xfc: {  	s0 =	sadd.s32 @!p0 $0x100000, s0;
	[bflag:$0x2] =	sbarrier.arrive $0xFFFF  }
0xfd: {  	[sflag:s0] =	ssyncadd.tile.s32 @!p0 $0x1;
	_ =	shalt  }
.Lfunc_end2:
_tile_overlayer_lowered:
.L_overlay_start_2:
0xfe: {  	(tag) =	ssettag $0x2  }
0xff: {  	s0 =	rddreg [dreg:$0x0];
	s2 =	stileid.u32  }
0x100: {  	s1 =	rddreg [dreg:$0x1];
	p0 =	sne.s32 s2, $0x0  }
0x101: {  	s3 =	rddreg [dreg:$0x2];
	[bflag:$0x3] =	sbarrier.arrive $0xFFFF;
	s2 =	simm.s32 @!p0 $0x1C05  }
0x102: {  	[timem:s3], [sflag:s2] =	dma.local @!p0 [hbm:s0], s1  }
0x103: {  	s0 =	simm.s32 @!p0 $0x5  }
0x104: {  	_ =	swait.ge @!p0 [sflag:s0], s1  }
0x105: {  	s1 =	ssub.s32 @!p0 $0x0, s1;
	[sflag:s0] =	ssyncset.done @!p0 $0x0  }
0x106: {  	[sflag:s0] =	ssyncadd.s32 @!p0 s1  }
0x107: {  	[bflag:$0x3] =	sbarrier.arrive $0xFFFF  }
0x108: {  	_ =	shalt  }

</sc_bundles>
